<compile_context>
chip_gen: v7x
topology: tpu7x:2x2x1
jax: 0.10.2.dev20260603
libtpu: 0.0.44.dev20260713+nightly
codegen_flags: <defaults>
</compile_context>

<pallas_src>
import functools

import jax
import jax.numpy as jnp
import numpy as np
from jax import lax
from jax.experimental import pallas as pl
from jax.experimental.pallas import tpu as pltpu
from jax.experimental.pallas import tpu_sc as plsc

_ANCHORS = np.array(
    [[1.3221, 1.73145], [3.19275, 4.00944], [5.05587, 8.09892],
     [9.47112, 4.84053], [11.2364, 10.0071]], dtype=np.float32)
_THRESH = 0.6
_GH, _GW = 16, 32
_NA, _NCLS = 5, 7
_B, _T = 64, 50
_CELLS = _NA * _GH * _GW
_HW = _GH * _GW
_SC_CORES, _SC_SUBCORES = 2, 16
_NW = _SC_CORES * _SC_SUBCORES
_TPAD = 256


def _sc_body(tgt_hbm, mask_o, conf_o, tx_o, ty_o, rw_o, rh_o, lab_o,
             tgt_v0, tgt_v1,
             m0_t, c0_t, x0_t, y0_t, w0_t, h0_t, l0_t,
             m1_t, c1_t, x1_t, y1_t, w1_t, h1_t, l1_t, sem):
  wid = lax.axis_index("s") * _SC_CORES + lax.axis_index("c")
  b0 = wid
  b1 = wid + _NW
  lanes = lax.iota(jnp.int32, 16)
  in5 = lanes < _NA
  cl5 = jnp.where(in5, lanes, 0)
  zf = jnp.zeros((16,), jnp.float32)
  zi = jnp.zeros((16,), jnp.int32)

  def _lanes_const(vals):
    v = zf + 1.0
    for i, c in enumerate(vals):
      v = jnp.where(lanes == i, float(c), v)
    return v

  aw = _lanes_const(_ANCHORS[:, 0])
  ah = _lanes_const(_ANCHORS[:, 1])
  awah = aw * ah

  set0 = (m0_t, c0_t, x0_t, y0_t, w0_t, h0_t, l0_t)
  set1 = (m1_t, c1_t, x1_t, y1_t, w1_t, h1_t, l1_t)

  pend = [pltpu.async_copy(tgt_hbm.at[b0], tgt_v0, sem),
          pltpu.async_copy(tgt_hbm.at[b1], tgt_v1, sem)]

  def init_body(i, c):
    sl = pl.ds(i * 16, 16)
    for (mt, ct, _, _, _, _, lt) in (set0, set1):
      mt[sl] = zf
      ct[sl] = zf + 1.0
      lt[sl] = zf + 127.0
    return c
  lax.fori_loop(0, _CELLS // 16, init_body, 0)
  for h in pend:
    h.wait()

  def ifloor(v):
    r = v.astype(jnp.int32)
    return r - (r.astype(jnp.float32) > v).astype(jnp.int32)

  def process(t, tv, mt, ct, xt, yt, wt, ht, lt):
    idx = t * 5 + cl5
    row = plsc.load_gather(tv, [idx], mask=in5)
    row = jnp.where(in5, row, 0.0)

    def bc(k):
      return row.at[zi + k].get(mode="promise_in_bounds")

    labv = bc(0)
    xv = bc(1)
    yv = bc(2)
    wv = bc(3)
    hv = bc(4)
    valid_v = (labv + xv + yv + wv + hv) != 0.0
    gx = xv * float(_GW)
    gy = yv * float(_GH)
    gwv = wv * float(_GW)
    ghv = hv * float(_GH)
    giv = ifloor(gx)
    gjv = ifloor(gy)
    labq = ifloor(labv).astype(jnp.float32)
    inter = jnp.minimum(gwv, aw) * jnp.minimum(ghv, ah)
    union = gwv * ghv + awah - inter + 1e-16
    iou = jnp.where(in5, inter / union, -1.0)
    cmx = plsc.cummax(iou)
    mxv = cmx.at[zi + 15].get(mode="promise_in_bounds")
    eq = iou == mxv
    first = jnp.cumsum(eq.astype(jnp.int32)) == 1
    is_best = eq & first
    high = iou > _THRESH
    cellv = gjv * _GW + giv
    idxv = cl5 * _HW + cellv

    plsc.store_scatter(ct, [idxv], jnp.where(is_best, 1.0, 0.0),
                       mask=valid_v & (high | is_best))
    wm = is_best & valid_v
    plsc.store_scatter(mt, [idxv], zf + 1.0, mask=wm)
    plsc.store_scatter(xt, [idxv], gx - giv.astype(jnp.float32), mask=wm)
    plsc.store_scatter(yt, [idxv], gy - gjv.astype(jnp.float32), mask=wm)
    plsc.store_scatter(wt, [idxv], gwv / aw, mask=wm)
    plsc.store_scatter(ht, [idxv], ghv / ah, mask=wm)
    old = plsc.load_gather(lt, [idxv], mask=wm)
    plsc.store_scatter(lt, [idxv], jnp.minimum(old, labq), mask=wm)

  def t_body(t, c):
    process(t, tgt_v0, *set0)
    process(t, tgt_v1, *set1)
    return c
  lax.fori_loop(0, _T, t_body, 0)

  outs = (mask_o, conf_o, tx_o, ty_o, rw_o, rh_o, lab_o)
  pend = []
  for b, tabs in ((b0, set0), (b1, set1)):
    for o, tab in zip(outs, tabs):
      pend.append(pltpu.async_copy(tab, o.at[b], sem))
  for h in pend:
    h.wait()


@jax.jit
def _sc_build(tgt_pad):
  tab = jax.ShapeDtypeStruct((_B, _CELLS), jnp.float32)
  f = pl.kernel(
      _sc_body,
      out_type=(tab,) * 7,
      mesh=plsc.VectorSubcoreMesh(core_axis_name="c", subcore_axis_name="s",
                                  num_cores=_SC_CORES,
                                  num_subcores=_SC_SUBCORES),
      scratch_types=[pltpu.VMEM((_TPAD,), jnp.float32)] * 2 +
                    [pltpu.VMEM((_CELLS,), jnp.float32)] * 14 +
                    [pltpu.SemaphoreType.DMA],
      compiler_params=pltpu.CompilerParams(needs_layout_passes=False),
  )
  return f(tgt_pad)


def _sigmoid(z):
  return 1.0 / (1.0 + jnp.exp(-z))


_BCHUNK = 16


def _tc_body(x_ref, mask_ref, conf_ref, tx_ref, ty_ref, rw_ref, rh_ref,
             lab_ref, out_ref, acc_ref):
  b = pl.program_id(0)

  @pl.when(b == 0)
  def _init():
    for i in range(6):
      acc_ref[i] = 0.0

  obj_s = 0.0
  bce_noobj = 0.0
  n_obj = 0.0
  n_noobj = 0.0
  def xr(ch):
    return x_ref[:, ch, :].astype(jnp.float32)

  for a in range(_NA):
    sl = pl.ds(a * _HW, _HW)
    mask_v = mask_ref[:, sl]
    conf_v = conf_ref[:, sl]
    obj = mask_v > 0.5
    noobj_v = jnp.where(conf_v != mask_v, 1.0, 0.0)

    px = _sigmoid(xr(a * 14 + 0))
    py = _sigmoid(xr(a * 14 + 1))
    pw = xr(a * 14 + 2)
    ph = xr(a * 14 + 3)
    zconf = xr(a * 14 + 6)

    twv = jnp.log(rw_ref[:, sl] + 1e-16)
    thv = jnp.log(rh_ref[:, sl] + 1e-16)
    d = ((px - tx_ref[:, sl]) ** 2 + (py - ty_ref[:, sl]) ** 2 +
         (pw - twv) ** 2 + (ph - thv) ** 2)

    sp = jnp.maximum(zconf, 0.0) + jnp.log(1.0 + jnp.exp(-jnp.abs(zconf)))
    bce = sp - mask_v * zconf
    bce_noobj = bce_noobj + noobj_v * bce

    s = [_sigmoid(xr(a * 14 + 7 + cc)) for cc in range(_NCLS)]
    sumexp = jnp.exp(s[0])
    for cc in range(1, _NCLS):
      sumexp += jnp.exp(s[cc])
    lse = jnp.log(sumexp)
    lab_v = lab_ref[:, sl]
    picked = -lse
    for cc in range(_NCLS):
      picked += jnp.where(lab_v == float(cc), s[cc], 0.0)

    obj_s = obj_s + jnp.where(obj, d + bce - (1.0 / float(_B)) * picked, 0.0)
    n_obj = n_obj + mask_v
    n_noobj = n_noobj + noobj_v

  acc_ref[0] += jnp.sum(obj_s)
  acc_ref[2] += jnp.sum(bce_noobj)
  acc_ref[4] += jnp.sum(n_obj)
  acc_ref[5] += jnp.sum(n_noobj)

  @pl.when(b == pl.num_programs(0) - 1)
  def _fin():
    no = acc_ref[4]
    nn = acc_ref[5]
    out_ref[0, 0] = acc_ref[0] / no + acc_ref[2] / nn


@jax.jit
def _tc_loss(x3, mask, conf, tx, ty, rw, rh, lab):
  tab_spec = pl.BlockSpec((_BCHUNK, _CELLS), lambda b: (b, 0))
  return pl.pallas_call(
      _tc_body,
      grid=(_B // _BCHUNK,),
      in_specs=[pl.BlockSpec((_BCHUNK, 14 * _NA, _HW), lambda b: (b, 0, 0))] +
               [tab_spec] * 7,
      out_specs=pl.BlockSpec(memory_space=pltpu.SMEM),
      out_shape=jax.ShapeDtypeStruct((1, 1), jnp.float32),
      scratch_shapes=[pltpu.SMEM((6,), jnp.float32)],
  )(x3, mask, conf, tx, ty, rw, rh, lab)


@jax.jit
def kernel(x, targets):
  tgt_pad = jnp.pad(jnp.reshape(targets, (_B, _T * 5)),
                    ((0, 0), (0, _TPAD - _T * 5)))
  tabs = _sc_build(tgt_pad)
  x3 = jnp.reshape(x, (_B, 14 * _NA, _HW))
  out = _tc_loss(x3, *tabs)
  return jnp.reshape(out, ())

# --- scband reference (transcript-rebuilt; emitter-appended) ---
"""Pipeline reference for scband-region-loss-1829656068458 (READ-ONLY COPY).

The authoritative reference and input builder live on the scoring server;
editing this copy changes nothing except your own understanding.
"""

import math
import jax, jax.numpy as jnp
import numpy as np

ANCHORS = np.array([[1.3221, 1.73145], [3.19275, 4.00944], [5.05587, 8.09892], [9.47112, 4.84053], [11.2364, 10.0071]], dtype=np.float32)
THRESH = 0.6
GH, GW = 16, 32
NA, NC = 5, 7


def _build_targets(targets):
    B, T, _ = targets.shape
    mask = jnp.zeros((B, NA, GH, GW), dtype=jnp.uint8)
    conf_mask = jnp.ones((B, NA, GH, GW), dtype=jnp.uint8)
    tx = jnp.zeros((B, NA, GH, GW), dtype=jnp.float32)
    ty = jnp.zeros_like(tx)
    tw = jnp.zeros_like(tx)
    th = jnp.zeros_like(tx)
    tconf = jnp.zeros_like(tx)
    tcls = jnp.zeros((B, NA, GH, GW, NC), dtype=jnp.float32)
    aw = jnp.asarray(ANCHORS[:, 0])
    ah = jnp.asarray(ANCHORS[:, 1])
    ii = jnp.arange(B)
    aa = jnp.arange(NA)

    def body(t, state):
        mask, conf_mask, tx, ty, tw, th, tconf, tcls = state
        row = targets[:, t, :]
        valid = jnp.sum(row, axis=1) != 0.0
        gx = row[:, 1] * GW
        gy = row[:, 2] * GH
        gw = row[:, 3] * GW
        gh = row[:, 4] * GH
        inter = jnp.minimum(gw[:, None], aw[None, :]) * jnp.minimum(gh[:, None], ah[None, :])
        iou = inter / (gw[:, None] * gh[:, None] + (aw * ah)[None, :] - inter + 1e-16)
        gi = jnp.floor(gx).astype(jnp.int32)
        gj = jnp.floor(gy).astype(jnp.int32)
        high = iou > THRESH
        old_cm = conf_mask[ii[:, None], aa[None, :], gj[:, None], gi[:, None]]
        new_cm = jnp.where(valid[:, None] & high, jnp.uint8(0), old_cm)
        conf_mask = conf_mask.at[ii[:, None], aa[None, :], gj[:, None], gi[:, None]].set(new_cm)
        best = jnp.argmax(iou, axis=1).astype(jnp.int32)

        def upd(arr, val):
            old = arr[ii, best, gj, gi]
            return arr.at[ii, best, gj, gi].set(jnp.where(valid, val, old))

        mask = upd(mask, jnp.uint8(1))
        conf_mask = upd(conf_mask, jnp.uint8(1))
        tx = upd(tx, gx - gi)
        ty = upd(ty, gy - gj)
        tw = upd(tw, jnp.log(gw / aw[best] + 1e-16))
        th = upd(th, jnp.log(gh / ah[best] + 1e-16))
        label = row[:, 0].astype(jnp.int32)
        old_c = tcls[ii, best, gj, gi, label]
        tcls = tcls.at[ii, best, gj, gi, label].set(jnp.where(valid, 1.0, old_c))
        tconf = upd(tconf, 1.0)
        return (mask, conf_mask, tx, ty, tw, th, tconf, tcls)

    state = jax.lax.fori_loop(0, T, body, (mask, conf_mask, tx, ty, tw, th, tconf, tcls))
    return state


def _bce(p, t, w, n):
    p = jnp.clip(p, 1e-12, 1.0 - 1e-12)
    return jnp.sum(w * (-(t * jnp.log(p) + (1.0 - t) * jnp.log(1.0 - p)))) / n


def setup_inputs(seed: int = 0) -> dict:
    key = jax.random.key(seed)
    k1, k2 = jax.random.split(key)
    x = jax.random.normal(k1, (64, 70, 16, 32), dtype=jnp.float32)
    targets = jax.random.uniform(k2, (64, 50, 5), dtype=jnp.float32)
    return {"x": x, "targets": targets}


def reference(x, targets):
    mask, conf_mask, tx, ty, tw, th, tconf, tcls = _build_targets(targets)
    objw = mask.astype(jnp.float32)
    # ByteTensor subtraction semantics: 0 - 1 wraps to 255 (still selected)
    noobjw = ((conf_mask - mask) != 0).astype(jnp.float32)
    n_obj = jnp.sum(objw)
    n_noobj = jnp.sum(noobjw)
    labels = jnp.argmax(tcls, axis=-1)
    B = x.shape[0]
    pred = jnp.transpose(jnp.reshape(x, (B, NA, 14, GH, GW)), (0, 1, 3, 4, 2))
    px = jax.nn.sigmoid(pred[..., 0])
    py = jax.nn.sigmoid(pred[..., 1])
    pw = pred[..., 2]
    ph = pred[..., 3]
    pconf = jax.nn.sigmoid(pred[..., 6])
    pcls = jax.nn.sigmoid(pred[..., 7:])
    loss_x = jnp.sum(objw * (px - tx) ** 2) / n_obj
    loss_y = jnp.sum(objw * (py - ty) ** 2) / n_obj
    loss_w = jnp.sum(objw * (pw - tw) ** 2) / n_obj
    loss_h = jnp.sum(objw * (ph - th) ** 2) / n_obj
    loss_conf = _bce(pconf, tconf, noobjw, n_noobj) + _bce(pconf, tconf, objw, n_obj)
    logp = jax.nn.log_softmax(pcls, axis=-1)
    picked = jnp.take_along_axis(logp, labels[..., None], axis=-1)[..., 0]
    loss_cls = (1.0 / B) * (jnp.sum(objw * (-picked)) / n_obj)
    return loss_x + loss_y + loss_w + loss_h + loss_conf + loss_cls

if __name__ == "__main__":
    import jax
    _d = setup_inputs()
    print(jax.jit(kernel)(*tuple(_d.values())))

</pallas_src>

<mosaic_0001>
#map = affine_map<(d0, d1) -> (0, 0)>
module attributes {stable_mosaic.version = 14 : i64} {
  func.func @_sc_body(%arg0: i32, %arg1: i32, %arg2: memref<64x256xf32, #tpu.memory_space<hbm>>, %arg3: memref<64x2560xf32, #tpu.memory_space<hbm>>, %arg4: memref<64x2560xf32, #tpu.memory_space<hbm>>, %arg5: memref<64x2560xf32, #tpu.memory_space<hbm>>, %arg6: memref<64x2560xf32, #tpu.memory_space<hbm>>, %arg7: memref<64x2560xf32, #tpu.memory_space<hbm>>, %arg8: memref<64x2560xf32, #tpu.memory_space<hbm>>, %arg9: memref<64x2560xf32, #tpu.memory_space<hbm>>, %arg10: memref<256xf32, #tpu.memory_space<vmem>>, %arg11: memref<256xf32, #tpu.memory_space<vmem>>, %arg12: memref<2560xf32, #tpu.memory_space<vmem>>, %arg13: memref<2560xf32, #tpu.memory_space<vmem>>, %arg14: memref<2560xf32, #tpu.memory_space<vmem>>, %arg15: memref<2560xf32, #tpu.memory_space<vmem>>, %arg16: memref<2560xf32, #tpu.memory_space<vmem>>, %arg17: memref<2560xf32, #tpu.memory_space<vmem>>, %arg18: memref<2560xf32, #tpu.memory_space<vmem>>, %arg19: memref<2560xf32, #tpu.memory_space<vmem>>, %arg20: memref<2560xf32, #tpu.memory_space<vmem>>, %arg21: memref<2560xf32, #tpu.memory_space<vmem>>, %arg22: memref<2560xf32, #tpu.memory_space<vmem>>, %arg23: memref<2560xf32, #tpu.memory_space<vmem>>, %arg24: memref<2560xf32, #tpu.memory_space<vmem>>, %arg25: memref<2560xf32, #tpu.memory_space<vmem>>, %arg26: memref<!tpu.dma_semaphore, #tpu.memory_space<semaphore_mem>>) attributes {dimension_semantics = [#tpu.dimension_semantics<core_parallel>, #tpu.dimension_semantics<subcore_parallel>], iteration_bounds = array<i64: 2, 16>, scalar_prefetch = 0 : i64, scratch_operands = 17 : i64, tpu.core_type = #tpu.core_type<sc_vector_subcore>, window_params = [{transform_indices = #map}, {transform_indices = #map}, {transform_indices = #map}, {transform_indices = #map}, {transform_indices = #map}, {transform_indices = #map}, {transform_indices = #map}, {transform_indices = #map}]} {
    %mul3A = arith.constant 2 : i32
    %mul3A_0 = arith.muli %arg1, %mul3A : i32
    %add3A = arith.addi %mul3A_0, %arg0 : i32
    %add3A_1 = arith.constant 32 : i32
    %add3A_2 = arith.addi %add3A, %add3A_1 : i32
    %iota3A = tpu.iota {dimensions = array<i32: 0>} : vector<16xi32>
    %lt3A = arith.constant 5 : i32
    %lt3A_3 = vector.broadcast %lt3A : i32 to vector<16xi32>
    %lt3A_4 = arith.cmpi slt, %iota3A, %lt3A_3 : vector<16xi32>
    %jit3A = arith.constant 0 : i32
    %broadcast_in_dim3A = vector.broadcast %jit3A : i32 to vector<16xi32>
    %select_n3A = arith.select %lt3A_4, %iota3A, %broadcast_in_dim3A : vector<16xi1>, vector<16xi32>
    %broadcast_in_dim3A_5 = arith.constant 0.000000e+00 : f32
    %broadcast_in_dim3A_6 = vector.broadcast %broadcast_in_dim3A_5 : f32 to vector<16xf32>
    %broadcast_in_dim3A_7 = arith.constant 0 : i32
    %broadcast_in_dim3A_8 = vector.broadcast %broadcast_in_dim3A_7 : i32 to vector<16xi32>
    %add3A_9 = arith.constant 1.000000e+00 : f32
    %add3A_10 = vector.broadcast %add3A_9 : f32 to vector<16xf32>
    %add3A_11 = arith.addf %broadcast_in_dim3A_6, %add3A_10 : vector<16xf32>
    %eq3A = arith.constant 0 : i32
    %eq3A_12 = vector.broadcast %eq3A : i32 to vector<16xi32>
    %eq3A_13 = arith.cmpi eq, %iota3A, %eq3A_12 : vector<16xi32>
    %jit3A_14 = arith.constant 1.322100e+00 : f32
    %broadcast_in_dim3A_15 = vector.broadcast %jit3A_14 : f32 to vector<16xf32>
    %select_n3A_16 = arith.select %eq3A_13, %broadcast_in_dim3A_15, %add3A_11 : vector<16xi1>, vector<16xf32>
    %eq3A_17 = arith.constant 1 : i32
    %eq3A_18 = vector.broadcast %eq3A_17 : i32 to vector<16xi32>
    %eq3A_19 = arith.cmpi eq, %iota3A, %eq3A_18 : vector<16xi32>
    %jit3A_20 = arith.constant 3.192750e+00 : f32
    %broadcast_in_dim3A_21 = vector.broadcast %jit3A_20 : f32 to vector<16xf32>
    %select_n3A_22 = arith.select %eq3A_19, %broadcast_in_dim3A_21, %select_n3A_16 : vector<16xi1>, vector<16xf32>
    %eq3A_23 = arith.constant 2 : i32
    %eq3A_24 = vector.broadcast %eq3A_23 : i32 to vector<16xi32>
    %eq3A_25 = arith.cmpi eq, %iota3A, %eq3A_24 : vector<16xi32>
    %jit3A_26 = arith.constant 5.055870e+00 : f32
    %broadcast_in_dim3A_27 = vector.broadcast %jit3A_26 : f32 to vector<16xf32>
    %select_n3A_28 = arith.select %eq3A_25, %broadcast_in_dim3A_27, %select_n3A_22 : vector<16xi1>, vector<16xf32>
    %eq3A_29 = arith.constant 3 : i32
    %eq3A_30 = vector.broadcast %eq3A_29 : i32 to vector<16xi32>
    %eq3A_31 = arith.cmpi eq, %iota3A, %eq3A_30 : vector<16xi32>
    %jit3A_32 = arith.constant 9.47111988 : f32
    %broadcast_in_dim3A_33 = vector.broadcast %jit3A_32 : f32 to vector<16xf32>
    %select_n3A_34 = arith.select %eq3A_31, %broadcast_in_dim3A_33, %select_n3A_28 : vector<16xi1>, vector<16xf32>
    %eq3A_35 = arith.constant 4 : i32
    %eq3A_36 = vector.broadcast %eq3A_35 : i32 to vector<16xi32>
    %eq3A_37 = arith.cmpi eq, %iota3A, %eq3A_36 : vector<16xi32>
    %jit3A_38 = arith.constant 1.123640e+01 : f32
    %broadcast_in_dim3A_39 = vector.broadcast %jit3A_38 : f32 to vector<16xf32>
    %select_n3A_40 = arith.select %eq3A_37, %broadcast_in_dim3A_39, %select_n3A_34 : vector<16xi1>, vector<16xf32>
    %add3A_41 = arith.constant 1.000000e+00 : f32
    %add3A_42 = vector.broadcast %add3A_41 : f32 to vector<16xf32>
    %add3A_43 = arith.addf %broadcast_in_dim3A_6, %add3A_42 : vector<16xf32>
    %eq3A_44 = arith.constant 0 : i32
    %eq3A_45 = vector.broadcast %eq3A_44 : i32 to vector<16xi32>
    %eq3A_46 = arith.cmpi eq, %iota3A, %eq3A_45 : vector<16xi32>
    %jit3A_47 = arith.constant 1.731450e+00 : f32
    %broadcast_in_dim3A_48 = vector.broadcast %jit3A_47 : f32 to vector<16xf32>
    %select_n3A_49 = arith.select %eq3A_46, %broadcast_in_dim3A_48, %add3A_43 : vector<16xi1>, vector<16xf32>
    %eq3A_50 = arith.constant 1 : i32
    %eq3A_51 = vector.broadcast %eq3A_50 : i32 to vector<16xi32>
    %eq3A_52 = arith.cmpi eq, %iota3A, %eq3A_51 : vector<16xi32>
    %jit3A_53 = arith.constant 4.009440e+00 : f32
    %broadcast_in_dim3A_54 = vector.broadcast %jit3A_53 : f32 to vector<16xf32>
    %select_n3A_55 = arith.select %eq3A_52, %broadcast_in_dim3A_54, %select_n3A_49 : vector<16xi1>, vector<16xf32>
    %eq3A_56 = arith.constant 2 : i32
    %eq3A_57 = vector.broadcast %eq3A_56 : i32 to vector<16xi32>
    %eq3A_58 = arith.cmpi eq, %iota3A, %eq3A_57 : vector<16xi32>
    %jit3A_59 = arith.constant 8.09891986 : f32
    %broadcast_in_dim3A_60 = vector.broadcast %jit3A_59 : f32 to vector<16xf32>
    %select_n3A_61 = arith.select %eq3A_58, %broadcast_in_dim3A_60, %select_n3A_55 : vector<16xi1>, vector<16xf32>
    %eq3A_62 = arith.constant 3 : i32
    %eq3A_63 = vector.broadcast %eq3A_62 : i32 to vector<16xi32>
    %eq3A_64 = arith.cmpi eq, %iota3A, %eq3A_63 : vector<16xi32>
    %jit3A_65 = arith.constant 4.840530e+00 : f32
    %broadcast_in_dim3A_66 = vector.broadcast %jit3A_65 : f32 to vector<16xf32>
    %select_n3A_67 = arith.select %eq3A_64, %broadcast_in_dim3A_66, %select_n3A_61 : vector<16xi1>, vector<16xf32>
    %eq3A_68 = arith.constant 4 : i32
    %eq3A_69 = vector.broadcast %eq3A_68 : i32 to vector<16xi32>
    %eq3A_70 = arith.cmpi eq, %iota3A, %eq3A_69 : vector<16xi32>
    %jit3A_71 = arith.constant 1.000710e+01 : f32
    %broadcast_in_dim3A_72 = vector.broadcast %jit3A_71 : f32 to vector<16xf32>
    %select_n3A_73 = arith.select %eq3A_70, %broadcast_in_dim3A_72, %select_n3A_67 : vector<16xi1>, vector<16xf32>
    %mul3A_74 = arith.mulf %select_n3A_40, %select_n3A_73 : vector<16xf32>
    %dma_start3A = arith.constant 0 : i32
    %dma_start3A_75 = tpu.memref_slice %arg2[%add3A, %dma_start3A] : memref<64x256xf32, #tpu.memory_space<hbm>> -> memref<1x256xf32, #tpu.memory_space<hbm>>
    %dma_start3A_76 = tpu.memref_squeeze %dma_start3A_75 : memref<1x256xf32, #tpu.memory_space<hbm>> -> memref<256xf32, #tpu.memory_space<hbm>>
    %dma_start3A_77 = arith.constant 0 : i32
    %dma_start3A_78 = tpu.memref_slice %arg2[%add3A, %dma_start3A_77] : memref<64x256xf32, #tpu.memory_space<hbm>> -> memref<1x256xf32, #tpu.memory_space<hbm>>
    %dma_start3A_79 = tpu.memref_squeeze %dma_start3A_78 : memref<1x256xf32, #tpu.memory_space<hbm>> -> memref<256xf32, #tpu.memory_space<hbm>>
    tpu.enqueue_dma source(%dma_start3A_79 : memref<256xf32, #tpu.memory_space<hbm>>) target(%arg10 : memref<256xf32, #tpu.memory_space<vmem>>) target_semaphore(%arg26 : memref<!tpu.dma_semaphore, #tpu.memory_space<semaphore_mem>>)
    %dma_start3A_80 = arith.constant 0 : i32
    %dma_start3A_81 = tpu.memref_slice %arg2[%add3A_2, %dma_start3A_80] : memref<64x256xf32, #tpu.memory_space<hbm>> -> memref<1x256xf32, #tpu.memory_space<hbm>>
    %dma_start3A_82 = tpu.memref_squeeze %dma_start3A_81 : memref<1x256xf32, #tpu.memory_space<hbm>> -> memref<256xf32, #tpu.memory_space<hbm>>
    %dma_start3A_83 = arith.constant 0 : i32
    %dma_start3A_84 = tpu.memref_slice %arg2[%add3A_2, %dma_start3A_83] : memref<64x256xf32, #tpu.memory_space<hbm>> -> memref<1x256xf32, #tpu.memory_space<hbm>>
    %dma_start3A_85 = tpu.memref_squeeze %dma_start3A_84 : memref<1x256xf32, #tpu.memory_space<hbm>> -> memref<256xf32, #tpu.memory_space<hbm>>
    tpu.enqueue_dma source(%dma_start3A_85 : memref<256xf32, #tpu.memory_space<hbm>>) target(%arg11 : memref<256xf32, #tpu.memory_space<vmem>>) target_semaphore(%arg26 : memref<!tpu.dma_semaphore, #tpu.memory_space<semaphore_mem>>)
    %scan3A = arith.constant 0 : i32
    %scan3A_86 = arith.constant 0 : i32
    %scan3A_87 = arith.constant 160 : i32
    %scan3A_88 = arith.addi %scan3A_86, %scan3A_87 : i32
    %scan3A_89 = arith.constant 1 : i32
    scf.for %scan3A_276 = %scan3A_86 to %scan3A_88 step %scan3A_89  : i32 {
      %mul3A_277 = arith.constant 16 : i32
      %mul3A_278 = arith.muli %scan3A_276, %mul3A_277 : i32
      %swap3A = arith.index_cast %mul3A_278 : i32 to index
      %swap3A_279 = tpu.vector_load %arg12[%swap3A] {strides = array<i32>} : memref<2560xf32, #tpu.memory_space<vmem>>, vector<16xf32>,
      tpu.vector_store %arg12[%swap3A], %broadcast_in_dim3A_6 {strides = array<i32>} : memref<2560xf32, #tpu.memory_space<vmem>>, vector<16xf32>,
      %add3A_280 = arith.constant 1.000000e+00 : f32
      %add3A_281 = vector.broadcast %add3A_280 : f32 to vector<16xf32>
      %add3A_282 = arith.addf %broadcast_in_dim3A_6, %add3A_281 : vector<16xf32>
      %swap3A_283 = arith.index_cast %mul3A_278 : i32 to index
      %swap3A_284 = tpu.vector_load %arg13[%swap3A_283] {strides = array<i32>} : memref<2560xf32, #tpu.memory_space<vmem>>, vector<16xf32>,
      tpu.vector_store %arg13[%swap3A_283], %add3A_282 {strides = array<i32>} : memref<2560xf32, #tpu.memory_space<vmem>>, vector<16xf32>,
      %add3A_285 = arith.constant 1.270000e+02 : f32
      %add3A_286 = vector.broadcast %add3A_285 : f32 to vector<16xf32>
      %add3A_287 = arith.addf %broadcast_in_dim3A_6, %add3A_286 : vector<16xf32>
      %swap3A_288 = arith.index_cast %mul3A_278 : i32 to index
      %swap3A_289 = tpu.vector_load %arg18[%swap3A_288] {strides = array<i32>} : memref<2560xf32, #tpu.memory_space<vmem>>, vector<16xf32>,
      tpu.vector_store %arg18[%swap3A_288], %add3A_287 {strides = array<i32>} : memref<2560xf32, #tpu.memory_space<vmem>>, vector<16xf32>,
      %swap3A_290 = arith.index_cast %mul3A_278 : i32 to index
      %swap3A_291 = tpu.vector_load %arg19[%swap3A_290] {strides = array<i32>} : memref<2560xf32, #tpu.memory_space<vmem>>, vector<16xf32>,
      tpu.vector_store %arg19[%swap3A_290], %broadcast_in_dim3A_6 {strides = array<i32>} : memref<2560xf32, #tpu.memory_space<vmem>>, vector<16xf32>,
      %add3A_292 = arith.constant 1.000000e+00 : f32
      %add3A_293 = vector.broadcast %add3A_292 : f32 to vector<16xf32>
      %add3A_294 = arith.addf %broadcast_in_dim3A_6, %add3A_293 : vector<16xf32>
      %swap3A_295 = arith.index_cast %mul3A_278 : i32 to index
      %swap3A_296 = tpu.vector_load %arg20[%swap3A_295] {strides = array<i32>} : memref<2560xf32, #tpu.memory_space<vmem>>, vector<16xf32>,
      tpu.vector_store %arg20[%swap3A_295], %add3A_294 {strides = array<i32>} : memref<2560xf32, #tpu.memory_space<vmem>>, vector<16xf32>,
      %add3A_297 = arith.constant 1.270000e+02 : f32
      %add3A_298 = vector.broadcast %add3A_297 : f32 to vector<16xf32>
      %add3A_299 = arith.addf %broadcast_in_dim3A_6, %add3A_298 : vector<16xf32>
      %swap3A_300 = arith.index_cast %mul3A_278 : i32 to index
      %swap3A_301 = tpu.vector_load %arg25[%swap3A_300] {strides = array<i32>} : memref<2560xf32, #tpu.memory_space<vmem>>, vector<16xf32>,
      tpu.vector_store %arg25[%swap3A_300], %add3A_299 {strides = array<i32>} : memref<2560xf32, #tpu.memory_space<vmem>>, vector<16xf32>,
    }
    %scan3A_90 = arith.constant 160 : i32
    %dma_wait3A = arith.constant 0 : i32
    %dma_wait3A_91 = tpu.memref_slice %arg2[%add3A, %dma_wait3A] : memref<64x256xf32, #tpu.memory_space<hbm>> -> memref<1x256xf32, #tpu.memory_space<hbm>>
    %dma_wait3A_92 = tpu.memref_squeeze %dma_wait3A_91 : memref<1x256xf32, #tpu.memory_space<hbm>> -> memref<256xf32, #tpu.memory_space<hbm>>
    %dma_wait3A_93 = arith.constant 0 : i32
    %dma_wait3A_94 = tpu.memref_slice %arg2[%add3A, %dma_wait3A_93] : memref<64x256xf32, #tpu.memory_space<hbm>> -> memref<1x256xf32, #tpu.memory_space<hbm>>
    %dma_wait3A_95 = tpu.memref_squeeze %dma_wait3A_94 : memref<1x256xf32, #tpu.memory_space<hbm>> -> memref<256xf32, #tpu.memory_space<hbm>>
    tpu.wait_dma2 semaphore(%arg26 : memref<!tpu.dma_semaphore, #tpu.memory_space<semaphore_mem>>) src(%dma_wait3A_95 : memref<256xf32, #tpu.memory_space<hbm>>) dst(%arg10 : memref<256xf32, #tpu.memory_space<vmem>>)
    %dma_wait3A_96 = arith.constant 0 : i32
    %dma_wait3A_97 = tpu.memref_slice %arg2[%add3A_2, %dma_wait3A_96] : memref<64x256xf32, #tpu.memory_space<hbm>> -> memref<1x256xf32, #tpu.memory_space<hbm>>
    %dma_wait3A_98 = tpu.memref_squeeze %dma_wait3A_97 : memref<1x256xf32, #tpu.memory_space<hbm>> -> memref<256xf32, #tpu.memory_space<hbm>>
    %dma_wait3A_99 = arith.constant 0 : i32
    %dma_wait3A_100 = tpu.memref_slice %arg2[%add3A_2, %dma_wait3A_99] : memref<64x256xf32, #tpu.memory_space<hbm>> -> memref<1x256xf32, #tpu.memory_space<hbm>>
    %dma_wait3A_101 = tpu.memref_squeeze %dma_wait3A_100 : memref<1x256xf32, #tpu.memory_space<hbm>> -> memref<256xf32, #tpu.memory_space<hbm>>
    tpu.wait_dma2 semaphore(%arg26 : memref<!tpu.dma_semaphore, #tpu.memory_space<semaphore_mem>>) src(%dma_wait3A_101 : memref<256xf32, #tpu.memory_space<hbm>>) dst(%arg11 : memref<256xf32, #tpu.memory_space<vmem>>)
    %scan3A_102 = arith.constant 0 : i32
    %scan3A_103 = arith.constant 0 : i32
    %scan3A_104 = arith.constant 50 : i32
    %scan3A_105 = arith.addi %scan3A_103, %scan3A_104 : i32
    %scan3A_106 = arith.constant 1 : i32
    scf.for %scan3A_276 = %scan3A_103 to %scan3A_105 step %scan3A_106  : i32 {
      %mul3A_277 = arith.constant 5 : i32
      %mul3A_278 = arith.muli %scan3A_276, %mul3A_277 : i32
      %add3A_279 = vector.broadcast %mul3A_278 : i32 to vector<16xi32>
      %add3A_280 = arith.addi %add3A_279, %select_n3A : vector<16xi32>
      %gather3A = tpu.vector_load_idx %arg10[%add3A_280] masked %lt3A_4 : memref<256xf32, #tpu.memory_space<vmem>>[vector<16xi32>], vector<16xf32>, vector<16xi1>
      %jit3A_281 = arith.constant 0.000000e+00 : f32
      %broadcast_in_dim3A_282 = vector.broadcast %jit3A_281 : f32 to vector<16xf32>
      %select_n3A_283 = arith.select %lt3A_4, %gather3A, %broadcast_in_dim3A_282 : vector<16xi1>, vector<16xf32>
      %add3A_284 = arith.constant 0 : i32
      %add3A_285 = vector.broadcast %add3A_284 : i32 to vector<16xi32>
      %add3A_286 = arith.addi %broadcast_in_dim3A_8, %add3A_285 : vector<16xi32>
      %lt3A_287 = arith.constant 0 : i32
      %lt3A_288 = vector.broadcast %lt3A_287 : i32 to vector<16xi32>
      %lt3A_289 = arith.cmpi slt, %add3A_286, %lt3A_288 : vector<16xi32>
      %add3A_290 = arith.constant 16 : i32
      %add3A_291 = vector.broadcast %add3A_290 : i32 to vector<16xi32>
      %add3A_292 = arith.addi %add3A_286, %add3A_291 : vector<16xi32>
      %select_n3A_293 = arith.select %lt3A_289, %add3A_292, %add3A_286 : vector<16xi1>, vector<16xi32>
      %broadcast_in_dim3A_294 = vector.shape_cast %select_n3A_293 : vector<16xi32> to vector<16x1xi32>
      %gather3A_295 = vector.shape_cast %broadcast_in_dim3A_294 : vector<16x1xi32> to vector<16xi32>
      %gather3A_296 = tpu.dynamic_gather %select_n3A_283[%gather3A_295] in [0] : vector<16xf32>, vector<16xi32> -> vector<16xf32>
      %add3A_297 = arith.constant 1 : i32
      %add3A_298 = vector.broadcast %add3A_297 : i32 to vector<16xi32>
      %add3A_299 = arith.addi %broadcast_in_dim3A_8, %add3A_298 : vector<16xi32>
      %lt3A_300 = arith.constant 0 : i32
      %lt3A_301 = vector.broadcast %lt3A_300 : i32 to vector<16xi32>
      %lt3A_302 = arith.cmpi slt, %add3A_299, %lt3A_301 : vector<16xi32>
      %add3A_303 = arith.constant 16 : i32
      %add3A_304 = vector.broadcast %add3A_303 : i32 to vector<16xi32>
      %add3A_305 = arith.addi %add3A_299, %add3A_304 : vector<16xi32>
      %select_n3A_306 = arith.select %lt3A_302, %add3A_305, %add3A_299 : vector<16xi1>, vector<16xi32>
      %broadcast_in_dim3A_307 = vector.shape_cast %select_n3A_306 : vector<16xi32> to vector<16x1xi32>
      %gather3A_308 = vector.shape_cast %broadcast_in_dim3A_307 : vector<16x1xi32> to vector<16xi32>
      %gather3A_309 = tpu.dynamic_gather %select_n3A_283[%gather3A_308] in [0] : vector<16xf32>, vector<16xi32> -> vector<16xf32>
      %add3A_310 = arith.constant 2 : i32
      %add3A_311 = vector.broadcast %add3A_310 : i32 to vector<16xi32>
      %add3A_312 = arith.addi %broadcast_in_dim3A_8, %add3A_311 : vector<16xi32>
      %lt3A_313 = arith.constant 0 : i32
      %lt3A_314 = vector.broadcast %lt3A_313 : i32 to vector<16xi32>
      %lt3A_315 = arith.cmpi slt, %add3A_312, %lt3A_314 : vector<16xi32>
      %add3A_316 = arith.constant 16 : i32
      %add3A_317 = vector.broadcast %add3A_316 : i32 to vector<16xi32>
      %add3A_318 = arith.addi %add3A_312, %add3A_317 : vector<16xi32>
      %select_n3A_319 = arith.select %lt3A_315, %add3A_318, %add3A_312 : vector<16xi1>, vector<16xi32>
      %broadcast_in_dim3A_320 = vector.shape_cast %select_n3A_319 : vector<16xi32> to vector<16x1xi32>
      %gather3A_321 = vector.shape_cast %broadcast_in_dim3A_320 : vector<16x1xi32> to vector<16xi32>
      %gather3A_322 = tpu.dynamic_gather %select_n3A_283[%gather3A_321] in [0] : vector<16xf32>, vector<16xi32> -> vector<16xf32>
      %add3A_323 = arith.constant 3 : i32
      %add3A_324 = vector.broadcast %add3A_323 : i32 to vector<16xi32>
      %add3A_325 = arith.addi %broadcast_in_dim3A_8, %add3A_324 : vector<16xi32>
      %lt3A_326 = arith.constant 0 : i32
      %lt3A_327 = vector.broadcast %lt3A_326 : i32 to vector<16xi32>
      %lt3A_328 = arith.cmpi slt, %add3A_325, %lt3A_327 : vector<16xi32>
      %add3A_329 = arith.constant 16 : i32
      %add3A_330 = vector.broadcast %add3A_329 : i32 to vector<16xi32>
      %add3A_331 = arith.addi %add3A_325, %add3A_330 : vector<16xi32>
      %select_n3A_332 = arith.select %lt3A_328, %add3A_331, %add3A_325 : vector<16xi1>, vector<16xi32>
      %broadcast_in_dim3A_333 = vector.shape_cast %select_n3A_332 : vector<16xi32> to vector<16x1xi32>
      %gather3A_334 = vector.shape_cast %broadcast_in_dim3A_333 : vector<16x1xi32> to vector<16xi32>
      %gather3A_335 = tpu.dynamic_gather %select_n3A_283[%gather3A_334] in [0] : vector<16xf32>, vector<16xi32> -> vector<16xf32>
      %add3A_336 = arith.constant 4 : i32
      %add3A_337 = vector.broadcast %add3A_336 : i32 to vector<16xi32>
      %add3A_338 = arith.addi %broadcast_in_dim3A_8, %add3A_337 : vector<16xi32>
      %lt3A_339 = arith.constant 0 : i32
      %lt3A_340 = vector.broadcast %lt3A_339 : i32 to vector<16xi32>
      %lt3A_341 = arith.cmpi slt, %add3A_338, %lt3A_340 : vector<16xi32>
      %add3A_342 = arith.constant 16 : i32
      %add3A_343 = vector.broadcast %add3A_342 : i32 to vector<16xi32>
      %add3A_344 = arith.addi %add3A_338, %add3A_343 : vector<16xi32>
      %select_n3A_345 = arith.select %lt3A_341, %add3A_344, %add3A_338 : vector<16xi1>, vector<16xi32>
      %broadcast_in_dim3A_346 = vector.shape_cast %select_n3A_345 : vector<16xi32> to vector<16x1xi32>
      %gather3A_347 = vector.shape_cast %broadcast_in_dim3A_346 : vector<16x1xi32> to vector<16xi32>
      %gather3A_348 = tpu.dynamic_gather %select_n3A_283[%gather3A_347] in [0] : vector<16xf32>, vector<16xi32> -> vector<16xf32>
      %add3A_349 = arith.addf %gather3A_296, %gather3A_309 : vector<16xf32>
      %add3A_350 = arith.addf %add3A_349, %gather3A_322 : vector<16xf32>
      %add3A_351 = arith.addf %add3A_350, %gather3A_335 : vector<16xf32>
      %add3A_352 = arith.addf %add3A_351, %gather3A_348 : vector<16xf32>
      %ne3A = arith.constant 0.000000e+00 : f32
      %ne3A_353 = vector.broadcast %ne3A : f32 to vector<16xf32>
      %ne3A_354 = arith.cmpf one, %add3A_352, %ne3A_353 : vector<16xf32>
      %mul3A_355 = arith.constant 3.200000e+01 : f32
      %mul3A_356 = vector.broadcast %mul3A_355 : f32 to vector<16xf32>
      %mul3A_357 = arith.mulf %gather3A_309, %mul3A_356 : vector<16xf32>
      %mul3A_358 = arith.constant 1.600000e+01 : f32
      %mul3A_359 = vector.broadcast %mul3A_358 : f32 to vector<16xf32>
      %mul3A_360 = arith.mulf %gather3A_322, %mul3A_359 : vector<16xf32>
      %mul3A_361 = arith.constant 3.200000e+01 : f32
      %mul3A_362 = vector.broadcast %mul3A_361 : f32 to vector<16xf32>
      %mul3A_363 = arith.mulf %gather3A_335, %mul3A_362 : vector<16xf32>
      %mul3A_364 = arith.constant 1.600000e+01 : f32
      %mul3A_365 = vector.broadcast %mul3A_364 : f32 to vector<16xf32>
      %mul3A_366 = arith.mulf %gather3A_348, %mul3A_365 : vector<16xf32>
      %convert_element_type3A = arith.fptosi %mul3A_357 : vector<16xf32> to vector<16xi32>
      %convert_element_type3A_367 = arith.sitofp %convert_element_type3A : vector<16xi32> to vector<16xf32>
      %gt3A = arith.cmpf ogt, %convert_element_type3A_367, %mul3A_357 : vector<16xf32>
      %convert_element_type3A_368 = arith.extui %gt3A : vector<16xi1> to vector<16xi32>
      %sub3A = arith.subi %convert_element_type3A, %convert_element_type3A_368 : vector<16xi32>
      %convert_element_type3A_369 = arith.fptosi %mul3A_360 : vector<16xf32> to vector<16xi32>
      %convert_element_type3A_370 = arith.sitofp %convert_element_type3A_369 : vector<16xi32> to vector<16xf32>
      %gt3A_371 = arith.cmpf ogt, %convert_element_type3A_370, %mul3A_360 : vector<16xf32>
      %convert_element_type3A_372 = arith.extui %gt3A_371 : vector<16xi1> to vector<16xi32>
      %sub3A_373 = arith.subi %convert_element_type3A_369, %convert_element_type3A_372 : vector<16xi32>
      %convert_element_type3A_374 = arith.fptosi %gather3A_296 : vector<16xf32> to vector<16xi32>
      %convert_element_type3A_375 = arith.sitofp %convert_element_type3A_374 : vector<16xi32> to vector<16xf32>
      %gt3A_376 = arith.cmpf ogt, %convert_element_type3A_375, %gather3A_296 : vector<16xf32>
      %convert_element_type3A_377 = arith.extui %gt3A_376 : vector<16xi1> to vector<16xi32>
      %sub3A_378 = arith.subi %convert_element_type3A_374, %convert_element_type3A_377 : vector<16xi32>
      %convert_element_type3A_379 = arith.sitofp %sub3A_378 : vector<16xi32> to vector<16xf32>
      %min3A = arith.minimumf %mul3A_363, %select_n3A_40 : vector<16xf32>
      %min3A_380 = arith.minimumf %mul3A_366, %select_n3A_73 : vector<16xf32>
      %mul3A_381 = arith.mulf %min3A, %min3A_380 : vector<16xf32>
      %mul3A_382 = arith.mulf %mul3A_363, %mul3A_366 : vector<16xf32>
      %add3A_383 = arith.addf %mul3A_382, %mul3A_74 : vector<16xf32>
      %sub3A_384 = arith.subf %add3A_383, %mul3A_381 : vector<16xf32>
      %add3A_385 = arith.constant 1.000000e-16 : f32
      %add3A_386 = vector.broadcast %add3A_385 : f32 to vector<16xf32>
      %add3A_387 = arith.addf %sub3A_384, %add3A_386 : vector<16xf32>
      %div3A = arith.divf %mul3A_381, %add3A_387 : vector<16xf32>
      %jit3A_388 = arith.constant -1.000000e+00 : f32
      %broadcast_in_dim3A_389 = vector.broadcast %jit3A_388 : f32 to vector<16xf32>
      %select_n3A_390 = arith.select %lt3A_4, %div3A, %broadcast_in_dim3A_389 : vector<16xi1>, vector<16xf32>
      %broadcast_in_dim3A_391 = arith.constant true
      %broadcast_in_dim3A_392 = vector.broadcast %broadcast_in_dim3A_391 : i1 to vector<16xi1>
      %masked_cummax3A = tpu.scan <max>, %select_n3A_390 masked %broadcast_in_dim3A_392 : vector<16xf32>, vector<16xi1> -> vector<16xf32>
      %add3A_393 = arith.constant 15 : i32
      %add3A_394 = vector.broadcast %add3A_393 : i32 to vector<16xi32>
      %add3A_395 = arith.addi %broadcast_in_dim3A_8, %add3A_394 : vector<16xi32>
      %lt3A_396 = arith.constant 0 : i32
      %lt3A_397 = vector.broadcast %lt3A_396 : i32 to vector<16xi32>
      %lt3A_398 = arith.cmpi slt, %add3A_395, %lt3A_397 : vector<16xi32>
      %add3A_399 = arith.constant 16 : i32
      %add3A_400 = vector.broadcast %add3A_399 : i32 to vector<16xi32>
      %add3A_401 = arith.addi %add3A_395, %add3A_400 : vector<16xi32>
      %select_n3A_402 = arith.select %lt3A_398, %add3A_401, %add3A_395 : vector<16xi1>, vector<16xi32>
      %broadcast_in_dim3A_403 = vector.shape_cast %select_n3A_402 : vector<16xi32> to vector<16x1xi32>
      %gather3A_404 = vector.shape_cast %broadcast_in_dim3A_403 : vector<16x1xi32> to vector<16xi32>
      %gather3A_405 = tpu.dynamic_gather %masked_cummax3A[%gather3A_404] in [0] : vector<16xf32>, vector<16xi32> -> vector<16xf32>
      %eq3A_406 = arith.cmpf oeq, %select_n3A_390, %gather3A_405 : vector<16xf32>
      %convert_element_type3A_407 = arith.extui %eq3A_406 : vector<16xi1> to vector<16xi32>
      %cumsum3A = arith.constant true
      %cumsum3A_408 = vector.broadcast %cumsum3A : i1 to vector<16xi1>
      %cumsum3A_409 = tpu.scan <sum>, %convert_element_type3A_407 masked %cumsum3A_408 : vector<16xi32>, vector<16xi1> -> vector<16xi32>
      %eq3A_410 = arith.constant 1 : i32
      %eq3A_411 = vector.broadcast %eq3A_410 : i32 to vector<16xi32>
      %eq3A_412 = arith.cmpi eq, %cumsum3A_409, %eq3A_411 : vector<16xi32>
      %and3A = arith.andi %eq3A_406, %eq3A_412 : vector<16xi1>
      %gt3A_413 = arith.constant 6.000000e-01 : f32
      %gt3A_414 = vector.broadcast %gt3A_413 : f32 to vector<16xf32>
      %gt3A_415 = arith.cmpf ogt, %select_n3A_390, %gt3A_414 : vector<16xf32>
      %mul3A_416 = arith.constant 32 : i32
      %mul3A_417 = vector.broadcast %mul3A_416 : i32 to vector<16xi32>
      %mul3A_418 = arith.muli %sub3A_373, %mul3A_417 : vector<16xi32>
      %add3A_419 = arith.addi %mul3A_418, %sub3A : vector<16xi32>
      %mul3A_420 = arith.constant 512 : i32
      %mul3A_421 = vector.broadcast %mul3A_420 : i32 to vector<16xi32>
      %mul3A_422 = arith.muli %select_n3A, %mul3A_421 : vector<16xi32>
      %add3A_423 = arith.addi %mul3A_422, %add3A_419 : vector<16xi32>
      %jit3A_424 = arith.constant 1.000000e+00 : f32
      %jit3A_425 = arith.constant 0.000000e+00 : f32
      %broadcast_in_dim3A_426 = vector.broadcast %jit3A_424 : f32 to vector<16xf32>
      %broadcast_in_dim3A_427 = vector.broadcast %jit3A_425 : f32 to vector<16xf32>
      %select_n3A_428 = arith.select %and3A, %broadcast_in_dim3A_426, %broadcast_in_dim3A_427 : vector<16xi1>, vector<16xf32>
      %or3A = arith.ori %gt3A_415, %and3A : vector<16xi1>
      %and3A_429 = arith.andi %ne3A_354, %or3A : vector<16xi1>
      tpu.vector_store_idx %arg13[%add3A_423], %select_n3A_428 masked %and3A_429 : memref<2560xf32, #tpu.memory_space<vmem>>[vector<16xi32>], vector<16xf32>, vector<16xi1>
      %and3A_430 = arith.andi %and3A, %ne3A_354 : vector<16xi1>
      %add3A_431 = arith.constant 1.000000e+00 : f32
      %add3A_432 = vector.broadcast %add3A_431 : f32 to vector<16xf32>
      %add3A_433 = arith.addf %broadcast_in_dim3A_6, %add3A_432 : vector<16xf32>
      tpu.vector_store_idx %arg12[%add3A_423], %add3A_433 masked %and3A_430 : memref<2560xf32, #tpu.memory_space<vmem>>[vector<16xi32>], vector<16xf32>, vector<16xi1>
      %convert_element_type3A_434 = arith.sitofp %sub3A : vector<16xi32> to vector<16xf32>
      %sub3A_435 = arith.subf %mul3A_357, %convert_element_type3A_434 : vector<16xf32>
      tpu.vector_store_idx %arg14[%add3A_423], %sub3A_435 masked %and3A_430 : memref<2560xf32, #tpu.memory_space<vmem>>[vector<16xi32>], vector<16xf32>, vector<16xi1>
      %convert_element_type3A_436 = arith.sitofp %sub3A_373 : vector<16xi32> to vector<16xf32>
      %sub3A_437 = arith.subf %mul3A_360, %convert_element_type3A_436 : vector<16xf32>
      tpu.vector_store_idx %arg15[%add3A_423], %sub3A_437 masked %and3A_430 : memref<2560xf32, #tpu.memory_space<vmem>>[vector<16xi32>], vector<16xf32>, vector<16xi1>
      %div3A_438 = arith.divf %mul3A_363, %select_n3A_40 : vector<16xf32>
      tpu.vector_store_idx %arg16[%add3A_423], %div3A_438 masked %and3A_430 : memref<2560xf32, #tpu.memory_space<vmem>>[vector<16xi32>], vector<16xf32>, vector<16xi1>
      %div3A_439 = arith.divf %mul3A_366, %select_n3A_73 : vector<16xf32>
      tpu.vector_store_idx %arg17[%add3A_423], %div3A_439 masked %and3A_430 : memref<2560xf32, #tpu.memory_space<vmem>>[vector<16xi32>], vector<16xf32>, vector<16xi1>
      %gather3A_440 = tpu.vector_load_idx %arg18[%add3A_423] masked %and3A_430 : memref<2560xf32, #tpu.memory_space<vmem>>[vector<16xi32>], vector<16xf32>, vector<16xi1>
      %min3A_441 = arith.minimumf %gather3A_440, %convert_element_type3A_379 : vector<16xf32>
      tpu.vector_store_idx %arg18[%add3A_423], %min3A_441 masked %and3A_430 : memref<2560xf32, #tpu.memory_space<vmem>>[vector<16xi32>], vector<16xf32>, vector<16xi1>
      %mul3A_442 = arith.constant 5 : i32
      %mul3A_443 = arith.muli %scan3A_276, %mul3A_442 : i32
      %add3A_444 = vector.broadcast %mul3A_443 : i32 to vector<16xi32>
      %add3A_445 = arith.addi %add3A_444, %select_n3A : vector<16xi32>
      %gather3A_446 = tpu.vector_load_idx %arg11[%add3A_445] masked %lt3A_4 : memref<256xf32, #tpu.memory_space<vmem>>[vector<16xi32>], vector<16xf32>, vector<16xi1>
      %jit3A_447 = arith.constant 0.000000e+00 : f32
      %broadcast_in_dim3A_448 = vector.broadcast %jit3A_447 : f32 to vector<16xf32>
      %select_n3A_449 = arith.select %lt3A_4, %gather3A_446, %broadcast_in_dim3A_448 : vector<16xi1>, vector<16xf32>
      %add3A_450 = arith.constant 0 : i32
      %add3A_451 = vector.broadcast %add3A_450 : i32 to vector<16xi32>
      %add3A_452 = arith.addi %broadcast_in_dim3A_8, %add3A_451 : vector<16xi32>
      %lt3A_453 = arith.constant 0 : i32
      %lt3A_454 = vector.broadcast %lt3A_453 : i32 to vector<16xi32>
      %lt3A_455 = arith.cmpi slt, %add3A_452, %lt3A_454 : vector<16xi32>
      %add3A_456 = arith.constant 16 : i32
      %add3A_457 = vector.broadcast %add3A_456 : i32 to vector<16xi32>
      %add3A_458 = arith.addi %add3A_452, %add3A_457 : vector<16xi32>
      %select_n3A_459 = arith.select %lt3A_455, %add3A_458, %add3A_452 : vector<16xi1>, vector<16xi32>
      %broadcast_in_dim3A_460 = vector.shape_cast %select_n3A_459 : vector<16xi32> to vector<16x1xi32>
      %gather3A_461 = vector.shape_cast %broadcast_in_dim3A_460 : vector<16x1xi32> to vector<16xi32>
      %gather3A_462 = tpu.dynamic_gather %select_n3A_449[%gather3A_461] in [0] : vector<16xf32>, vector<16xi32> -> vector<16xf32>
      %add3A_463 = arith.constant 1 : i32
      %add3A_464 = vector.broadcast %add3A_463 : i32 to vector<16xi32>
      %add3A_465 = arith.addi %broadcast_in_dim3A_8, %add3A_464 : vector<16xi32>
      %lt3A_466 = arith.constant 0 : i32
      %lt3A_467 = vector.broadcast %lt3A_466 : i32 to vector<16xi32>
      %lt3A_468 = arith.cmpi slt, %add3A_465, %lt3A_467 : vector<16xi32>
      %add3A_469 = arith.constant 16 : i32
      %add3A_470 = vector.broadcast %add3A_469 : i32 to vector<16xi32>
      %add3A_471 = arith.addi %add3A_465, %add3A_470 : vector<16xi32>
      %select_n3A_472 = arith.select %lt3A_468, %add3A_471, %add3A_465 : vector<16xi1>, vector<16xi32>
      %broadcast_in_dim3A_473 = vector.shape_cast %select_n3A_472 : vector<16xi32> to vector<16x1xi32>
      %gather3A_474 = vector.shape_cast %broadcast_in_dim3A_473 : vector<16x1xi32> to vector<16xi32>
      %gather3A_475 = tpu.dynamic_gather %select_n3A_449[%gather3A_474] in [0] : vector<16xf32>, vector<16xi32> -> vector<16xf32>
      %add3A_476 = arith.constant 2 : i32
      %add3A_477 = vector.broadcast %add3A_476 : i32 to vector<16xi32>
      %add3A_478 = arith.addi %broadcast_in_dim3A_8, %add3A_477 : vector<16xi32>
      %lt3A_479 = arith.constant 0 : i32
      %lt3A_480 = vector.broadcast %lt3A_479 : i32 to vector<16xi32>
      %lt3A_481 = arith.cmpi slt, %add3A_478, %lt3A_480 : vector<16xi32>
      %add3A_482 = arith.constant 16 : i32
      %add3A_483 = vector.broadcast %add3A_482 : i32 to vector<16xi32>
      %add3A_484 = arith.addi %add3A_478, %add3A_483 : vector<16xi32>
      %select_n3A_485 = arith.select %lt3A_481, %add3A_484, %add3A_478 : vector<16xi1>, vector<16xi32>
      %broadcast_in_dim3A_486 = vector.shape_cast %select_n3A_485 : vector<16xi32> to vector<16x1xi32>
      %gather3A_487 = vector.shape_cast %broadcast_in_dim3A_486 : vector<16x1xi32> to vector<16xi32>
      %gather3A_488 = tpu.dynamic_gather %select_n3A_449[%gather3A_487] in [0] : vector<16xf32>, vector<16xi32> -> vector<16xf32>
      %add3A_489 = arith.constant 3 : i32
      %add3A_490 = vector.broadcast %add3A_489 : i32 to vector<16xi32>
      %add3A_491 = arith.addi %broadcast_in_dim3A_8, %add3A_490 : vector<16xi32>
      %lt3A_492 = arith.constant 0 : i32
      %lt3A_493 = vector.broadcast %lt3A_492 : i32 to vector<16xi32>
      %lt3A_494 = arith.cmpi slt, %add3A_491, %lt3A_493 : vector<16xi32>
      %add3A_495 = arith.constant 16 : i32
      %add3A_496 = vector.broadcast %add3A_495 : i32 to vector<16xi32>
      %add3A_497 = arith.addi %add3A_491, %add3A_496 : vector<16xi32>
      %select_n3A_498 = arith.select %lt3A_494, %add3A_497, %add3A_491 : vector<16xi1>, vector<16xi32>
      %broadcast_in_dim3A_499 = vector.shape_cast %select_n3A_498 : vector<16xi32> to vector<16x1xi32>
      %gather3A_500 = vector.shape_cast %broadcast_in_dim3A_499 : vector<16x1xi32> to vector<16xi32>
      %gather3A_501 = tpu.dynamic_gather %select_n3A_449[%gather3A_500] in [0] : vector<16xf32>, vector<16xi32> -> vector<16xf32>
      %add3A_502 = arith.constant 4 : i32
      %add3A_503 = vector.broadcast %add3A_502 : i32 to vector<16xi32>
      %add3A_504 = arith.addi %broadcast_in_dim3A_8, %add3A_503 : vector<16xi32>
      %lt3A_505 = arith.constant 0 : i32
      %lt3A_506 = vector.broadcast %lt3A_505 : i32 to vector<16xi32>
      %lt3A_507 = arith.cmpi slt, %add3A_504, %lt3A_506 : vector<16xi32>
      %add3A_508 = arith.constant 16 : i32
      %add3A_509 = vector.broadcast %add3A_508 : i32 to vector<16xi32>
      %add3A_510 = arith.addi %add3A_504, %add3A_509 : vector<16xi32>
      %select_n3A_511 = arith.select %lt3A_507, %add3A_510, %add3A_504 : vector<16xi1>, vector<16xi32>
      %broadcast_in_dim3A_512 = vector.shape_cast %select_n3A_511 : vector<16xi32> to vector<16x1xi32>
      %gather3A_513 = vector.shape_cast %broadcast_in_dim3A_512 : vector<16x1xi32> to vector<16xi32>
      %gather3A_514 = tpu.dynamic_gather %select_n3A_449[%gather3A_513] in [0] : vector<16xf32>, vector<16xi32> -> vector<16xf32>
      %add3A_515 = arith.addf %gather3A_462, %gather3A_475 : vector<16xf32>
      %add3A_516 = arith.addf %add3A_515, %gather3A_488 : vector<16xf32>
      %add3A_517 = arith.addf %add3A_516, %gather3A_501 : vector<16xf32>
      %add3A_518 = arith.addf %add3A_517, %gather3A_514 : vector<16xf32>
      %ne3A_519 = arith.constant 0.000000e+00 : f32
      %ne3A_520 = vector.broadcast %ne3A_519 : f32 to vector<16xf32>
      %ne3A_521 = arith.cmpf one, %add3A_518, %ne3A_520 : vector<16xf32>
      %mul3A_522 = arith.constant 3.200000e+01 : f32
      %mul3A_523 = vector.broadcast %mul3A_522 : f32 to vector<16xf32>
      %mul3A_524 = arith.mulf %gather3A_475, %mul3A_523 : vector<16xf32>
      %mul3A_525 = arith.constant 1.600000e+01 : f32
      %mul3A_526 = vector.broadcast %mul3A_525 : f32 to vector<16xf32>
      %mul3A_527 = arith.mulf %gather3A_488, %mul3A_526 : vector<16xf32>
      %mul3A_528 = arith.constant 3.200000e+01 : f32
      %mul3A_529 = vector.broadcast %mul3A_528 : f32 to vector<16xf32>
      %mul3A_530 = arith.mulf %gather3A_501, %mul3A_529 : vector<16xf32>
      %mul3A_531 = arith.constant 1.600000e+01 : f32
      %mul3A_532 = vector.broadcast %mul3A_531 : f32 to vector<16xf32>
      %mul3A_533 = arith.mulf %gather3A_514, %mul3A_532 : vector<16xf32>
      %convert_element_type3A_534 = arith.fptosi %mul3A_524 : vector<16xf32> to vector<16xi32>
      %convert_element_type3A_535 = arith.sitofp %convert_element_type3A_534 : vector<16xi32> to vector<16xf32>
      %gt3A_536 = arith.cmpf ogt, %convert_element_type3A_535, %mul3A_524 : vector<16xf32>
      %convert_element_type3A_537 = arith.extui %gt3A_536 : vector<16xi1> to vector<16xi32>
      %sub3A_538 = arith.subi %convert_element_type3A_534, %convert_element_type3A_537 : vector<16xi32>
      %convert_element_type3A_539 = arith.fptosi %mul3A_527 : vector<16xf32> to vector<16xi32>
      %convert_element_type3A_540 = arith.sitofp %convert_element_type3A_539 : vector<16xi32> to vector<16xf32>
      %gt3A_541 = arith.cmpf ogt, %convert_element_type3A_540, %mul3A_527 : vector<16xf32>
      %convert_element_type3A_542 = arith.extui %gt3A_541 : vector<16xi1> to vector<16xi32>
      %sub3A_543 = arith.subi %convert_element_type3A_539, %convert_element_type3A_542 : vector<16xi32>
      %convert_element_type3A_544 = arith.fptosi %gather3A_462 : vector<16xf32> to vector<16xi32>
      %convert_element_type3A_545 = arith.sitofp %convert_element_type3A_544 : vector<16xi32> to vector<16xf32>
      %gt3A_546 = arith.cmpf ogt, %convert_element_type3A_545, %gather3A_462 : vector<16xf32>
      %convert_element_type3A_547 = arith.extui %gt3A_546 : vector<16xi1> to vector<16xi32>
      %sub3A_548 = arith.subi %convert_element_type3A_544, %convert_element_type3A_547 : vector<16xi32>
      %convert_element_type3A_549 = arith.sitofp %sub3A_548 : vector<16xi32> to vector<16xf32>
      %min3A_550 = arith.minimumf %mul3A_530, %select_n3A_40 : vector<16xf32>
      %min3A_551 = arith.minimumf %mul3A_533, %select_n3A_73 : vector<16xf32>
      %mul3A_552 = arith.mulf %min3A_550, %min3A_551 : vector<16xf32>
      %mul3A_553 = arith.mulf %mul3A_530, %mul3A_533 : vector<16xf32>
      %add3A_554 = arith.addf %mul3A_553, %mul3A_74 : vector<16xf32>
      %sub3A_555 = arith.subf %add3A_554, %mul3A_552 : vector<16xf32>
      %add3A_556 = arith.constant 1.000000e-16 : f32
      %add3A_557 = vector.broadcast %add3A_556 : f32 to vector<16xf32>
      %add3A_558 = arith.addf %sub3A_555, %add3A_557 : vector<16xf32>
      %div3A_559 = arith.divf %mul3A_552, %add3A_558 : vector<16xf32>
      %jit3A_560 = arith.constant -1.000000e+00 : f32
      %broadcast_in_dim3A_561 = vector.broadcast %jit3A_560 : f32 to vector<16xf32>
      %select_n3A_562 = arith.select %lt3A_4, %div3A_559, %broadcast_in_dim3A_561 : vector<16xi1>, vector<16xf32>
      %broadcast_in_dim3A_563 = arith.constant true
      %broadcast_in_dim3A_564 = vector.broadcast %broadcast_in_dim3A_563 : i1 to vector<16xi1>
      %masked_cummax3A_565 = tpu.scan <max>, %select_n3A_562 masked %broadcast_in_dim3A_564 : vector<16xf32>, vector<16xi1> -> vector<16xf32>
      %add3A_566 = arith.constant 15 : i32
      %add3A_567 = vector.broadcast %add3A_566 : i32 to vector<16xi32>
      %add3A_568 = arith.addi %broadcast_in_dim3A_8, %add3A_567 : vector<16xi32>
      %lt3A_569 = arith.constant 0 : i32
      %lt3A_570 = vector.broadcast %lt3A_569 : i32 to vector<16xi32>
      %lt3A_571 = arith.cmpi slt, %add3A_568, %lt3A_570 : vector<16xi32>
      %add3A_572 = arith.constant 16 : i32
      %add3A_573 = vector.broadcast %add3A_572 : i32 to vector<16xi32>
      %add3A_574 = arith.addi %add3A_568, %add3A_573 : vector<16xi32>
      %select_n3A_575 = arith.select %lt3A_571, %add3A_574, %add3A_568 : vector<16xi1>, vector<16xi32>
      %broadcast_in_dim3A_576 = vector.shape_cast %select_n3A_575 : vector<16xi32> to vector<16x1xi32>
      %gather3A_577 = vector.shape_cast %broadcast_in_dim3A_576 : vector<16x1xi32> to vector<16xi32>
      %gather3A_578 = tpu.dynamic_gather %masked_cummax3A_565[%gather3A_577] in [0] : vector<16xf32>, vector<16xi32> -> vector<16xf32>
      %eq3A_579 = arith.cmpf oeq, %select_n3A_562, %gather3A_578 : vector<16xf32>
      %convert_element_type3A_580 = arith.extui %eq3A_579 : vector<16xi1> to vector<16xi32>
      %cumsum3A_581 = arith.constant true
      %cumsum3A_582 = vector.broadcast %cumsum3A_581 : i1 to vector<16xi1>
      %cumsum3A_583 = tpu.scan <sum>, %convert_element_type3A_580 masked %cumsum3A_582 : vector<16xi32>, vector<16xi1> -> vector<16xi32>
      %eq3A_584 = arith.constant 1 : i32
      %eq3A_585 = vector.broadcast %eq3A_584 : i32 to vector<16xi32>
      %eq3A_586 = arith.cmpi eq, %cumsum3A_583, %eq3A_585 : vector<16xi32>
      %and3A_587 = arith.andi %eq3A_579, %eq3A_586 : vector<16xi1>
      %gt3A_588 = arith.constant 6.000000e-01 : f32
      %gt3A_589 = vector.broadcast %gt3A_588 : f32 to vector<16xf32>
      %gt3A_590 = arith.cmpf ogt, %select_n3A_562, %gt3A_589 : vector<16xf32>
      %mul3A_591 = arith.constant 32 : i32
      %mul3A_592 = vector.broadcast %mul3A_591 : i32 to vector<16xi32>
      %mul3A_593 = arith.muli %sub3A_543, %mul3A_592 : vector<16xi32>
      %add3A_594 = arith.addi %mul3A_593, %sub3A_538 : vector<16xi32>
      %mul3A_595 = arith.constant 512 : i32
      %mul3A_596 = vector.broadcast %mul3A_595 : i32 to vector<16xi32>
      %mul3A_597 = arith.muli %select_n3A, %mul3A_596 : vector<16xi32>
      %add3A_598 = arith.addi %mul3A_597, %add3A_594 : vector<16xi32>
      %jit3A_599 = arith.constant 1.000000e+00 : f32
      %jit3A_600 = arith.constant 0.000000e+00 : f32
      %broadcast_in_dim3A_601 = vector.broadcast %jit3A_599 : f32 to vector<16xf32>
      %broadcast_in_dim3A_602 = vector.broadcast %jit3A_600 : f32 to vector<16xf32>
      %select_n3A_603 = arith.select %and3A_587, %broadcast_in_dim3A_601, %broadcast_in_dim3A_602 : vector<16xi1>, vector<16xf32>
      %or3A_604 = arith.ori %gt3A_590, %and3A_587 : vector<16xi1>
      %and3A_605 = arith.andi %ne3A_521, %or3A_604 : vector<16xi1>
      tpu.vector_store_idx %arg20[%add3A_598], %select_n3A_603 masked %and3A_605 : memref<2560xf32, #tpu.memory_space<vmem>>[vector<16xi32>], vector<16xf32>, vector<16xi1>
      %and3A_606 = arith.andi %and3A_587, %ne3A_521 : vector<16xi1>
      %add3A_607 = arith.constant 1.000000e+00 : f32
      %add3A_608 = vector.broadcast %add3A_607 : f32 to vector<16xf32>
      %add3A_609 = arith.addf %broadcast_in_dim3A_6, %add3A_608 : vector<16xf32>
      tpu.vector_store_idx %arg19[%add3A_598], %add3A_609 masked %and3A_606 : memref<2560xf32, #tpu.memory_space<vmem>>[vector<16xi32>], vector<16xf32>, vector<16xi1>
      %convert_element_type3A_610 = arith.sitofp %sub3A_538 : vector<16xi32> to vector<16xf32>
      %sub3A_611 = arith.subf %mul3A_524, %convert_element_type3A_610 : vector<16xf32>
      tpu.vector_store_idx %arg21[%add3A_598], %sub3A_611 masked %and3A_606 : memref<2560xf32, #tpu.memory_space<vmem>>[vector<16xi32>], vector<16xf32>, vector<16xi1>
      %convert_element_type3A_612 = arith.sitofp %sub3A_543 : vector<16xi32> to vector<16xf32>
      %sub3A_613 = arith.subf %mul3A_527, %convert_element_type3A_612 : vector<16xf32>
      tpu.vector_store_idx %arg22[%add3A_598], %sub3A_613 masked %and3A_606 : memref<2560xf32, #tpu.memory_space<vmem>>[vector<16xi32>], vector<16xf32>, vector<16xi1>
      %div3A_614 = arith.divf %mul3A_530, %select_n3A_40 : vector<16xf32>
      tpu.vector_store_idx %arg23[%add3A_598], %div3A_614 masked %and3A_606 : memref<2560xf32, #tpu.memory_space<vmem>>[vector<16xi32>], vector<16xf32>, vector<16xi1>
      %div3A_615 = arith.divf %mul3A_533, %select_n3A_73 : vector<16xf32>
      tpu.vector_store_idx %arg24[%add3A_598], %div3A_615 masked %and3A_606 : memref<2560xf32, #tpu.memory_space<vmem>>[vector<16xi32>], vector<16xf32>, vector<16xi1>
      %gather3A_616 = tpu.vector_load_idx %arg25[%add3A_598] masked %and3A_606 : memref<2560xf32, #tpu.memory_space<vmem>>[vector<16xi32>], vector<16xf32>, vector<16xi1>
      %min3A_617 = arith.minimumf %gather3A_616, %convert_element_type3A_549 : vector<16xf32>
      tpu.vector_store_idx %arg25[%add3A_598], %min3A_617 masked %and3A_606 : memref<2560xf32, #tpu.memory_space<vmem>>[vector<16xi32>], vector<16xf32>, vector<16xi1>
    }
    %scan3A_107 = arith.constant 50 : i32
    %dma_start3A_108 = arith.constant 0 : i32
    %dma_start3A_109 = tpu.memref_slice %arg3[%add3A, %dma_start3A_108] : memref<64x2560xf32, #tpu.memory_space<hbm>> -> memref<1x2560xf32, #tpu.memory_space<hbm>>
    %dma_start3A_110 = tpu.memref_squeeze %dma_start3A_109 : memref<1x2560xf32, #tpu.memory_space<hbm>> -> memref<2560xf32, #tpu.memory_space<hbm>>
    %dma_start3A_111 = arith.constant 0 : i32
    %dma_start3A_112 = tpu.memref_slice %arg3[%add3A, %dma_start3A_111] : memref<64x2560xf32, #tpu.memory_space<hbm>> -> memref<1x2560xf32, #tpu.memory_space<hbm>>
    %dma_start3A_113 = tpu.memref_squeeze %dma_start3A_112 : memref<1x2560xf32, #tpu.memory_space<hbm>> -> memref<2560xf32, #tpu.memory_space<hbm>>
    tpu.enqueue_dma source(%arg12 : memref<2560xf32, #tpu.memory_space<vmem>>) target(%dma_start3A_113 : memref<2560xf32, #tpu.memory_space<hbm>>) target_semaphore(%arg26 : memref<!tpu.dma_semaphore, #tpu.memory_space<semaphore_mem>>)
    %dma_start3A_114 = arith.constant 0 : i32
    %dma_start3A_115 = tpu.memref_slice %arg4[%add3A, %dma_start3A_114] : memref<64x2560xf32, #tpu.memory_space<hbm>> -> memref<1x2560xf32, #tpu.memory_space<hbm>>
    %dma_start3A_116 = tpu.memref_squeeze %dma_start3A_115 : memref<1x2560xf32, #tpu.memory_space<hbm>> -> memref<2560xf32, #tpu.memory_space<hbm>>
    %dma_start3A_117 = arith.constant 0 : i32
    %dma_start3A_118 = tpu.memref_slice %arg4[%add3A, %dma_start3A_117] : memref<64x2560xf32, #tpu.memory_space<hbm>> -> memref<1x2560xf32, #tpu.memory_space<hbm>>
    %dma_start3A_119 = tpu.memref_squeeze %dma_start3A_118 : memref<1x2560xf32, #tpu.memory_space<hbm>> -> memref<2560xf32, #tpu.memory_space<hbm>>
    tpu.enqueue_dma source(%arg13 : memref<2560xf32, #tpu.memory_space<vmem>>) target(%dma_start3A_119 : memref<2560xf32, #tpu.memory_space<hbm>>) target_semaphore(%arg26 : memref<!tpu.dma_semaphore, #tpu.memory_space<semaphore_mem>>)
    %dma_start3A_120 = arith.constant 0 : i32
    %dma_start3A_121 = tpu.memref_slice %arg5[%add3A, %dma_start3A_120] : memref<64x2560xf32, #tpu.memory_space<hbm>> -> memref<1x2560xf32, #tpu.memory_space<hbm>>
    %dma_start3A_122 = tpu.memref_squeeze %dma_start3A_121 : memref<1x2560xf32, #tpu.memory_space<hbm>> -> memref<2560xf32, #tpu.memory_space<hbm>>
    %dma_start3A_123 = arith.constant 0 : i32
    %dma_start3A_124 = tpu.memref_slice %arg5[%add3A, %dma_start3A_123] : memref<64x2560xf32, #tpu.memory_space<hbm>> -> memref<1x2560xf32, #tpu.memory_space<hbm>>
    %dma_start3A_125 = tpu.memref_squeeze %dma_start3A_124 : memref<1x2560xf32, #tpu.memory_space<hbm>> -> memref<2560xf32, #tpu.memory_space<hbm>>
    tpu.enqueue_dma source(%arg14 : memref<2560xf32, #tpu.memory_space<vmem>>) target(%dma_start3A_125 : memref<2560xf32, #tpu.memory_space<hbm>>) target_semaphore(%arg26 : memref<!tpu.dma_semaphore, #tpu.memory_space<semaphore_mem>>)
    %dma_start3A_126 = arith.constant 0 : i32
    %dma_start3A_127 = tpu.memref_slice %arg6[%add3A, %dma_start3A_126] : memref<64x2560xf32, #tpu.memory_space<hbm>> -> memref<1x2560xf32, #tpu.memory_space<hbm>>
    %dma_start3A_128 = tpu.memref_squeeze %dma_start3A_127 : memref<1x2560xf32, #tpu.memory_space<hbm>> -> memref<2560xf32, #tpu.memory_space<hbm>>
    %dma_start3A_129 = arith.constant 0 : i32
    %dma_start3A_130 = tpu.memref_slice %arg6[%add3A, %dma_start3A_129] : memref<64x2560xf32, #tpu.memory_space<hbm>> -> memref<1x2560xf32, #tpu.memory_space<hbm>>
    %dma_start3A_131 = tpu.memref_squeeze %dma_start3A_130 : memref<1x2560xf32, #tpu.memory_space<hbm>> -> memref<2560xf32, #tpu.memory_space<hbm>>
    tpu.enqueue_dma source(%arg15 : memref<2560xf32, #tpu.memory_space<vmem>>) target(%dma_start3A_131 : memref<2560xf32, #tpu.memory_space<hbm>>) target_semaphore(%arg26 : memref<!tpu.dma_semaphore, #tpu.memory_space<semaphore_mem>>)
    %dma_start3A_132 = arith.constant 0 : i32
    %dma_start3A_133 = tpu.memref_slice %arg7[%add3A, %dma_start3A_132] : memref<64x2560xf32, #tpu.memory_space<hbm>> -> memref<1x2560xf32, #tpu.memory_space<hbm>>
    %dma_start3A_134 = tpu.memref_squeeze %dma_start3A_133 : memref<1x2560xf32, #tpu.memory_space<hbm>> -> memref<2560xf32, #tpu.memory_space<hbm>>
    %dma_start3A_135 = arith.constant 0 : i32
    %dma_start3A_136 = tpu.memref_slice %arg7[%add3A, %dma_start3A_135] : memref<64x2560xf32, #tpu.memory_space<hbm>> -> memref<1x2560xf32, #tpu.memory_space<hbm>>
    %dma_start3A_137 = tpu.memref_squeeze %dma_start3A_136 : memref<1x2560xf32, #tpu.memory_space<hbm>> -> memref<2560xf32, #tpu.memory_space<hbm>>
    tpu.enqueue_dma source(%arg16 : memref<2560xf32, #tpu.memory_space<vmem>>) target(%dma_start3A_137 : memref<2560xf32, #tpu.memory_space<hbm>>) target_semaphore(%arg26 : memref<!tpu.dma_semaphore, #tpu.memory_space<semaphore_mem>>)
    %dma_start3A_138 = arith.constant 0 : i32
    %dma_start3A_139 = tpu.memref_slice %arg8[%add3A, %dma_start3A_138] : memref<64x2560xf32, #tpu.memory_space<hbm>> -> memref<1x2560xf32, #tpu.memory_space<hbm>>
    %dma_start3A_140 = tpu.memref_squeeze %dma_start3A_139 : memref<1x2560xf32, #tpu.memory_space<hbm>> -> memref<2560xf32, #tpu.memory_space<hbm>>
    %dma_start3A_141 = arith.constant 0 : i32
    %dma_start3A_142 = tpu.memref_slice %arg8[%add3A, %dma_start3A_141] : memref<64x2560xf32, #tpu.memory_space<hbm>> -> memref<1x2560xf32, #tpu.memory_space<hbm>>
    %dma_start3A_143 = tpu.memref_squeeze %dma_start3A_142 : memref<1x2560xf32, #tpu.memory_space<hbm>> -> memref<2560xf32, #tpu.memory_space<hbm>>
    tpu.enqueue_dma source(%arg17 : memref<2560xf32, #tpu.memory_space<vmem>>) target(%dma_start3A_143 : memref<2560xf32, #tpu.memory_space<hbm>>) target_semaphore(%arg26 : memref<!tpu.dma_semaphore, #tpu.memory_space<semaphore_mem>>)
    %dma_start3A_144 = arith.constant 0 : i32
    %dma_start3A_145 = tpu.memref_slice %arg9[%add3A, %dma_start3A_144] : memref<64x2560xf32, #tpu.memory_space<hbm>> -> memref<1x2560xf32, #tpu.memory_space<hbm>>
    %dma_start3A_146 = tpu.memref_squeeze %dma_start3A_145 : memref<1x2560xf32, #tpu.memory_space<hbm>> -> memref<2560xf32, #tpu.memory_space<hbm>>
    %dma_start3A_147 = arith.constant 0 : i32
    %dma_start3A_148 = tpu.memref_slice %arg9[%add3A, %dma_start3A_147] : memref<64x2560xf32, #tpu.memory_space<hbm>> -> memref<1x2560xf32, #tpu.memory_space<hbm>>
    %dma_start3A_149 = tpu.memref_squeeze %dma_start3A_148 : memref<1x2560xf32, #tpu.memory_space<hbm>> -> memref<2560xf32, #tpu.memory_space<hbm>>
    tpu.enqueue_dma source(%arg18 : memref<2560xf32, #tpu.memory_space<vmem>>) target(%dma_start3A_149 : memref<2560xf32, #tpu.memory_space<hbm>>) target_semaphore(%arg26 : memref<!tpu.dma_semaphore, #tpu.memory_space<semaphore_mem>>)
    %dma_start3A_150 = arith.constant 0 : i32
    %dma_start3A_151 = tpu.memref_slice %arg3[%add3A_2, %dma_start3A_150] : memref<64x2560xf32, #tpu.memory_space<hbm>> -> memref<1x2560xf32, #tpu.memory_space<hbm>>
    %dma_start3A_152 = tpu.memref_squeeze %dma_start3A_151 : memref<1x2560xf32, #tpu.memory_space<hbm>> -> memref<2560xf32, #tpu.memory_space<hbm>>
    %dma_start3A_153 = arith.constant 0 : i32
    %dma_start3A_154 = tpu.memref_slice %arg3[%add3A_2, %dma_start3A_153] : memref<64x2560xf32, #tpu.memory_space<hbm>> -> memref<1x2560xf32, #tpu.memory_space<hbm>>
    %dma_start3A_155 = tpu.memref_squeeze %dma_start3A_154 : memref<1x2560xf32, #tpu.memory_space<hbm>> -> memref<2560xf32, #tpu.memory_space<hbm>>
    tpu.enqueue_dma source(%arg19 : memref<2560xf32, #tpu.memory_space<vmem>>) target(%dma_start3A_155 : memref<2560xf32, #tpu.memory_space<hbm>>) target_semaphore(%arg26 : memref<!tpu.dma_semaphore, #tpu.memory_space<semaphore_mem>>)
    %dma_start3A_156 = arith.constant 0 : i32
    %dma_start3A_157 = tpu.memref_slice %arg4[%add3A_2, %dma_start3A_156] : memref<64x2560xf32, #tpu.memory_space<hbm>> -> memref<1x2560xf32, #tpu.memory_space<hbm>>
    %dma_start3A_158 = tpu.memref_squeeze %dma_start3A_157 : memref<1x2560xf32, #tpu.memory_space<hbm>> -> memref<2560xf32, #tpu.memory_space<hbm>>
    %dma_start3A_159 = arith.constant 0 : i32
    %dma_start3A_160 = tpu.memref_slice %arg4[%add3A_2, %dma_start3A_159] : memref<64x2560xf32, #tpu.memory_space<hbm>> -> memref<1x2560xf32, #tpu.memory_space<hbm>>
    %dma_start3A_161 = tpu.memref_squeeze %dma_start3A_160 : memref<1x2560xf32, #tpu.memory_space<hbm>> -> memref<2560xf32, #tpu.memory_space<hbm>>
    tpu.enqueue_dma source(%arg20 : memref<2560xf32, #tpu.memory_space<vmem>>) target(%dma_start3A_161 : memref<2560xf32, #tpu.memory_space<hbm>>) target_semaphore(%arg26 : memref<!tpu.dma_semaphore, #tpu.memory_space<semaphore_mem>>)
    %dma_start3A_162 = arith.constant 0 : i32
    %dma_start3A_163 = tpu.memref_slice %arg5[%add3A_2, %dma_start3A_162] : memref<64x2560xf32, #tpu.memory_space<hbm>> -> memref<1x2560xf32, #tpu.memory_space<hbm>>
    %dma_start3A_164 = tpu.memref_squeeze %dma_start3A_163 : memref<1x2560xf32, #tpu.memory_space<hbm>> -> memref<2560xf32, #tpu.memory_space<hbm>>
    %dma_start3A_165 = arith.constant 0 : i32
    %dma_start3A_166 = tpu.memref_slice %arg5[%add3A_2, %dma_start3A_165] : memref<64x2560xf32, #tpu.memory_space<hbm>> -> memref<1x2560xf32, #tpu.memory_space<hbm>>
    %dma_start3A_167 = tpu.memref_squeeze %dma_start3A_166 : memref<1x2560xf32, #tpu.memory_space<hbm>> -> memref<2560xf32, #tpu.memory_space<hbm>>
    tpu.enqueue_dma source(%arg21 : memref<2560xf32, #tpu.memory_space<vmem>>) target(%dma_start3A_167 : memref<2560xf32, #tpu.memory_space<hbm>>) target_semaphore(%arg26 : memref<!tpu.dma_semaphore, #tpu.memory_space<semaphore_mem>>)
    %dma_start3A_168 = arith.constant 0 : i32
    %dma_start3A_169 = tpu.memref_slice %arg6[%add3A_2, %dma_start3A_168] : memref<64x2560xf32, #tpu.memory_space<hbm>> -> memref<1x2560xf32, #tpu.memory_space<hbm>>
    %dma_start3A_170 = tpu.memref_squeeze %dma_start3A_169 : memref<1x2560xf32, #tpu.memory_space<hbm>> -> memref<2560xf32, #tpu.memory_space<hbm>>
    %dma_start3A_171 = arith.constant 0 : i32
    %dma_start3A_172 = tpu.memref_slice %arg6[%add3A_2, %dma_start3A_171] : memref<64x2560xf32, #tpu.memory_space<hbm>> -> memref<1x2560xf32, #tpu.memory_space<hbm>>
    %dma_start3A_173 = tpu.memref_squeeze %dma_start3A_172 : memref<1x2560xf32, #tpu.memory_space<hbm>> -> memref<2560xf32, #tpu.memory_space<hbm>>
    tpu.enqueue_dma source(%arg22 : memref<2560xf32, #tpu.memory_space<vmem>>) target(%dma_start3A_173 : memref<2560xf32, #tpu.memory_space<hbm>>) target_semaphore(%arg26 : memref<!tpu.dma_semaphore, #tpu.memory_space<semaphore_mem>>)
    %dma_start3A_174 = arith.constant 0 : i32
    %dma_start3A_175 = tpu.memref_slice %arg7[%add3A_2, %dma_start3A_174] : memref<64x2560xf32, #tpu.memory_space<hbm>> -> memref<1x2560xf32, #tpu.memory_space<hbm>>
    %dma_start3A_176 = tpu.memref_squeeze %dma_start3A_175 : memref<1x2560xf32, #tpu.memory_space<hbm>> -> memref<2560xf32, #tpu.memory_space<hbm>>
    %dma_start3A_177 = arith.constant 0 : i32
    %dma_start3A_178 = tpu.memref_slice %arg7[%add3A_2, %dma_start3A_177] : memref<64x2560xf32, #tpu.memory_space<hbm>> -> memref<1x2560xf32, #tpu.memory_space<hbm>>
    %dma_start3A_179 = tpu.memref_squeeze %dma_start3A_178 : memref<1x2560xf32, #tpu.memory_space<hbm>> -> memref<2560xf32, #tpu.memory_space<hbm>>
    tpu.enqueue_dma source(%arg23 : memref<2560xf32, #tpu.memory_space<vmem>>) target(%dma_start3A_179 : memref<2560xf32, #tpu.memory_space<hbm>>) target_semaphore(%arg26 : memref<!tpu.dma_semaphore, #tpu.memory_space<semaphore_mem>>)
    %dma_start3A_180 = arith.constant 0 : i32
    %dma_start3A_181 = tpu.memref_slice %arg8[%add3A_2, %dma_start3A_180] : memref<64x2560xf32, #tpu.memory_space<hbm>> -> memref<1x2560xf32, #tpu.memory_space<hbm>>
    %dma_start3A_182 = tpu.memref_squeeze %dma_start3A_181 : memref<1x2560xf32, #tpu.memory_space<hbm>> -> memref<2560xf32, #tpu.memory_space<hbm>>
    %dma_start3A_183 = arith.constant 0 : i32
    %dma_start3A_184 = tpu.memref_slice %arg8[%add3A_2, %dma_start3A_183] : memref<64x2560xf32, #tpu.memory_space<hbm>> -> memref<1x2560xf32, #tpu.memory_space<hbm>>
    %dma_start3A_185 = tpu.memref_squeeze %dma_start3A_184 : memref<1x2560xf32, #tpu.memory_space<hbm>> -> memref<2560xf32, #tpu.memory_space<hbm>>
    tpu.enqueue_dma source(%arg24 : memref<2560xf32, #tpu.memory_space<vmem>>) target(%dma_start3A_185 : memref<2560xf32, #tpu.memory_space<hbm>>) target_semaphore(%arg26 : memref<!tpu.dma_semaphore, #tpu.memory_space<semaphore_mem>>)
    %dma_start3A_186 = arith.constant 0 : i32
    %dma_start3A_187 = tpu.memref_slice %arg9[%add3A_2, %dma_start3A_186] : memref<64x2560xf32, #tpu.memory_space<hbm>> -> memref<1x2560xf32, #tpu.memory_space<hbm>>
    %dma_start3A_188 = tpu.memref_squeeze %dma_start3A_187 : memref<1x2560xf32, #tpu.memory_space<hbm>> -> memref<2560xf32, #tpu.memory_space<hbm>>
    %dma_start3A_189 = arith.constant 0 : i32
    %dma_start3A_190 = tpu.memref_slice %arg9[%add3A_2, %dma_start3A_189] : memref<64x2560xf32, #tpu.memory_space<hbm>> -> memref<1x2560xf32, #tpu.memory_space<hbm>>
    %dma_start3A_191 = tpu.memref_squeeze %dma_start3A_190 : memref<1x2560xf32, #tpu.memory_space<hbm>> -> memref<2560xf32, #tpu.memory_space<hbm>>
    tpu.enqueue_dma source(%arg25 : memref<2560xf32, #tpu.memory_space<vmem>>) target(%dma_start3A_191 : memref<2560xf32, #tpu.memory_space<hbm>>) target_semaphore(%arg26 : memref<!tpu.dma_semaphore, #tpu.memory_space<semaphore_mem>>)
    %dma_wait3A_192 = arith.constant 0 : i32
    %dma_wait3A_193 = tpu.memref_slice %arg3[%add3A, %dma_wait3A_192] : memref<64x2560xf32, #tpu.memory_space<hbm>> -> memref<1x2560xf32, #tpu.memory_space<hbm>>
    %dma_wait3A_194 = tpu.memref_squeeze %dma_wait3A_193 : memref<1x2560xf32, #tpu.memory_space<hbm>> -> memref<2560xf32, #tpu.memory_space<hbm>>
    %dma_wait3A_195 = arith.constant 0 : i32
    %dma_wait3A_196 = tpu.memref_slice %arg3[%add3A, %dma_wait3A_195] : memref<64x2560xf32, #tpu.memory_space<hbm>> -> memref<1x2560xf32, #tpu.memory_space<hbm>>
    %dma_wait3A_197 = tpu.memref_squeeze %dma_wait3A_196 : memref<1x2560xf32, #tpu.memory_space<hbm>> -> memref<2560xf32, #tpu.memory_space<hbm>>
    tpu.wait_dma2 semaphore(%arg26 : memref<!tpu.dma_semaphore, #tpu.memory_space<semaphore_mem>>) src(%arg12 : memref<2560xf32, #tpu.memory_space<vmem>>) dst(%dma_wait3A_197 : memref<2560xf32, #tpu.memory_space<hbm>>)
    %dma_wait3A_198 = arith.constant 0 : i32
    %dma_wait3A_199 = tpu.memref_slice %arg4[%add3A, %dma_wait3A_198] : memref<64x2560xf32, #tpu.memory_space<hbm>> -> memref<1x2560xf32, #tpu.memory_space<hbm>>
    %dma_wait3A_200 = tpu.memref_squeeze %dma_wait3A_199 : memref<1x2560xf32, #tpu.memory_space<hbm>> -> memref<2560xf32, #tpu.memory_space<hbm>>
    %dma_wait3A_201 = arith.constant 0 : i32
    %dma_wait3A_202 = tpu.memref_slice %arg4[%add3A, %dma_wait3A_201] : memref<64x2560xf32, #tpu.memory_space<hbm>> -> memref<1x2560xf32, #tpu.memory_space<hbm>>
    %dma_wait3A_203 = tpu.memref_squeeze %dma_wait3A_202 : memref<1x2560xf32, #tpu.memory_space<hbm>> -> memref<2560xf32, #tpu.memory_space<hbm>>
    tpu.wait_dma2 semaphore(%arg26 : memref<!tpu.dma_semaphore, #tpu.memory_space<semaphore_mem>>) src(%arg13 : memref<2560xf32, #tpu.memory_space<vmem>>) dst(%dma_wait3A_203 : memref<2560xf32, #tpu.memory_space<hbm>>)
    %dma_wait3A_204 = arith.constant 0 : i32
    %dma_wait3A_205 = tpu.memref_slice %arg5[%add3A, %dma_wait3A_204] : memref<64x2560xf32, #tpu.memory_space<hbm>> -> memref<1x2560xf32, #tpu.memory_space<hbm>>
    %dma_wait3A_206 = tpu.memref_squeeze %dma_wait3A_205 : memref<1x2560xf32, #tpu.memory_space<hbm>> -> memref<2560xf32, #tpu.memory_space<hbm>>
    %dma_wait3A_207 = arith.constant 0 : i32
    %dma_wait3A_208 = tpu.memref_slice %arg5[%add3A, %dma_wait3A_207] : memref<64x2560xf32, #tpu.memory_space<hbm>> -> memref<1x2560xf32, #tpu.memory_space<hbm>>
    %dma_wait3A_209 = tpu.memref_squeeze %dma_wait3A_208 : memref<1x2560xf32, #tpu.memory_space<hbm>> -> memref<2560xf32, #tpu.memory_space<hbm>>
    tpu.wait_dma2 semaphore(%arg26 : memref<!tpu.dma_semaphore, #tpu.memory_space<semaphore_mem>>) src(%arg14 : memref<2560xf32, #tpu.memory_space<vmem>>) dst(%dma_wait3A_209 : memref<2560xf32, #tpu.memory_space<hbm>>)
    %dma_wait3A_210 = arith.constant 0 : i32
    %dma_wait3A_211 = tpu.memref_slice %arg6[%add3A, %dma_wait3A_210] : memref<64x2560xf32, #tpu.memory_space<hbm>> -> memref<1x2560xf32, #tpu.memory_space<hbm>>
    %dma_wait3A_212 = tpu.memref_squeeze %dma_wait3A_211 : memref<1x2560xf32, #tpu.memory_space<hbm>> -> memref<2560xf32, #tpu.memory_space<hbm>>
    %dma_wait3A_213 = arith.constant 0 : i32
    %dma_wait3A_214 = tpu.memref_slice %arg6[%add3A, %dma_wait3A_213] : memref<64x2560xf32, #tpu.memory_space<hbm>> -> memref<1x2560xf32, #tpu.memory_space<hbm>>
    %dma_wait3A_215 = tpu.memref_squeeze %dma_wait3A_214 : memref<1x2560xf32, #tpu.memory_space<hbm>> -> memref<2560xf32, #tpu.memory_space<hbm>>
    tpu.wait_dma2 semaphore(%arg26 : memref<!tpu.dma_semaphore, #tpu.memory_space<semaphore_mem>>) src(%arg15 : memref<2560xf32, #tpu.memory_space<vmem>>) dst(%dma_wait3A_215 : memref<2560xf32, #tpu.memory_space<hbm>>)
    %dma_wait3A_216 = arith.constant 0 : i32
    %dma_wait3A_217 = tpu.memref_slice %arg7[%add3A, %dma_wait3A_216] : memref<64x2560xf32, #tpu.memory_space<hbm>> -> memref<1x2560xf32, #tpu.memory_space<hbm>>
    %dma_wait3A_218 = tpu.memref_squeeze %dma_wait3A_217 : memref<1x2560xf32, #tpu.memory_space<hbm>> -> memref<2560xf32, #tpu.memory_space<hbm>>
    %dma_wait3A_219 = arith.constant 0 : i32
    %dma_wait3A_220 = tpu.memref_slice %arg7[%add3A, %dma_wait3A_219] : memref<64x2560xf32, #tpu.memory_space<hbm>> -> memref<1x2560xf32, #tpu.memory_space<hbm>>
    %dma_wait3A_221 = tpu.memref_squeeze %dma_wait3A_220 : memref<1x2560xf32, #tpu.memory_space<hbm>> -> memref<2560xf32, #tpu.memory_space<hbm>>
    tpu.wait_dma2 semaphore(%arg26 : memref<!tpu.dma_semaphore, #tpu.memory_space<semaphore_mem>>) src(%arg16 : memref<2560xf32, #tpu.memory_space<vmem>>) dst(%dma_wait3A_221 : memref<2560xf32, #tpu.memory_space<hbm>>)
    %dma_wait3A_222 = arith.constant 0 : i32
    %dma_wait3A_223 = tpu.memref_slice %arg8[%add3A, %dma_wait3A_222] : memref<64x2560xf32, #tpu.memory_space<hbm>> -> memref<1x2560xf32, #tpu.memory_space<hbm>>
    %dma_wait3A_224 = tpu.memref_squeeze %dma_wait3A_223 : memref<1x2560xf32, #tpu.memory_space<hbm>> -> memref<2560xf32, #tpu.memory_space<hbm>>
    %dma_wait3A_225 = arith.constant 0 : i32
    %dma_wait3A_226 = tpu.memref_slice %arg8[%add3A, %dma_wait3A_225] : memref<64x2560xf32, #tpu.memory_space<hbm>> -> memref<1x2560xf32, #tpu.memory_space<hbm>>
    %dma_wait3A_227 = tpu.memref_squeeze %dma_wait3A_226 : memref<1x2560xf32, #tpu.memory_space<hbm>> -> memref<2560xf32, #tpu.memory_space<hbm>>
    tpu.wait_dma2 semaphore(%arg26 : memref<!tpu.dma_semaphore, #tpu.memory_space<semaphore_mem>>) src(%arg17 : memref<2560xf32, #tpu.memory_space<vmem>>) dst(%dma_wait3A_227 : memref<2560xf32, #tpu.memory_space<hbm>>)
    %dma_wait3A_228 = arith.constant 0 : i32
    %dma_wait3A_229 = tpu.memref_slice %arg9[%add3A, %dma_wait3A_228] : memref<64x2560xf32, #tpu.memory_space<hbm>> -> memref<1x2560xf32, #tpu.memory_space<hbm>>
    %dma_wait3A_230 = tpu.memref_squeeze %dma_wait3A_229 : memref<1x2560xf32, #tpu.memory_space<hbm>> -> memref<2560xf32, #tpu.memory_space<hbm>>
    %dma_wait3A_231 = arith.constant 0 : i32
    %dma_wait3A_232 = tpu.memref_slice %arg9[%add3A, %dma_wait3A_231] : memref<64x2560xf32, #tpu.memory_space<hbm>> -> memref<1x2560xf32, #tpu.memory_space<hbm>>
    %dma_wait3A_233 = tpu.memref_squeeze %dma_wait3A_232 : memref<1x2560xf32, #tpu.memory_space<hbm>> -> memref<2560xf32, #tpu.memory_space<hbm>>
    tpu.wait_dma2 semaphore(%arg26 : memref<!tpu.dma_semaphore, #tpu.memory_space<semaphore_mem>>) src(%arg18 : memref<2560xf32, #tpu.memory_space<vmem>>) dst(%dma_wait3A_233 : memref<2560xf32, #tpu.memory_space<hbm>>)
    %dma_wait3A_234 = arith.constant 0 : i32
    %dma_wait3A_235 = tpu.memref_slice %arg3[%add3A_2, %dma_wait3A_234] : memref<64x2560xf32, #tpu.memory_space<hbm>> -> memref<1x2560xf32, #tpu.memory_space<hbm>>
    %dma_wait3A_236 = tpu.memref_squeeze %dma_wait3A_235 : memref<1x2560xf32, #tpu.memory_space<hbm>> -> memref<2560xf32, #tpu.memory_space<hbm>>
    %dma_wait3A_237 = arith.constant 0 : i32
    %dma_wait3A_238 = tpu.memref_slice %arg3[%add3A_2, %dma_wait3A_237] : memref<64x2560xf32, #tpu.memory_space<hbm>> -> memref<1x2560xf32, #tpu.memory_space<hbm>>
    %dma_wait3A_239 = tpu.memref_squeeze %dma_wait3A_238 : memref<1x2560xf32, #tpu.memory_space<hbm>> -> memref<2560xf32, #tpu.memory_space<hbm>>
    tpu.wait_dma2 semaphore(%arg26 : memref<!tpu.dma_semaphore, #tpu.memory_space<semaphore_mem>>) src(%arg19 : memref<2560xf32, #tpu.memory_space<vmem>>) dst(%dma_wait3A_239 : memref<2560xf32, #tpu.memory_space<hbm>>)
    %dma_wait3A_240 = arith.constant 0 : i32
    %dma_wait3A_241 = tpu.memref_slice %arg4[%add3A_2, %dma_wait3A_240] : memref<64x2560xf32, #tpu.memory_space<hbm>> -> memref<1x2560xf32, #tpu.memory_space<hbm>>
    %dma_wait3A_242 = tpu.memref_squeeze %dma_wait3A_241 : memref<1x2560xf32, #tpu.memory_space<hbm>> -> memref<2560xf32, #tpu.memory_space<hbm>>
    %dma_wait3A_243 = arith.constant 0 : i32
    %dma_wait3A_244 = tpu.memref_slice %arg4[%add3A_2, %dma_wait3A_243] : memref<64x2560xf32, #tpu.memory_space<hbm>> -> memref<1x2560xf32, #tpu.memory_space<hbm>>
    %dma_wait3A_245 = tpu.memref_squeeze %dma_wait3A_244 : memref<1x2560xf32, #tpu.memory_space<hbm>> -> memref<2560xf32, #tpu.memory_space<hbm>>
    tpu.wait_dma2 semaphore(%arg26 : memref<!tpu.dma_semaphore, #tpu.memory_space<semaphore_mem>>) src(%arg20 : memref<2560xf32, #tpu.memory_space<vmem>>) dst(%dma_wait3A_245 : memref<2560xf32, #tpu.memory_space<hbm>>)
    %dma_wait3A_246 = arith.constant 0 : i32
    %dma_wait3A_247 = tpu.memref_slice %arg5[%add3A_2, %dma_wait3A_246] : memref<64x2560xf32, #tpu.memory_space<hbm>> -> memref<1x2560xf32, #tpu.memory_space<hbm>>
    %dma_wait3A_248 = tpu.memref_squeeze %dma_wait3A_247 : memref<1x2560xf32, #tpu.memory_space<hbm>> -> memref<2560xf32, #tpu.memory_space<hbm>>
    %dma_wait3A_249 = arith.constant 0 : i32
    %dma_wait3A_250 = tpu.memref_slice %arg5[%add3A_2, %dma_wait3A_249] : memref<64x2560xf32, #tpu.memory_space<hbm>> -> memref<1x2560xf32, #tpu.memory_space<hbm>>
    %dma_wait3A_251 = tpu.memref_squeeze %dma_wait3A_250 : memref<1x2560xf32, #tpu.memory_space<hbm>> -> memref<2560xf32, #tpu.memory_space<hbm>>
    tpu.wait_dma2 semaphore(%arg26 : memref<!tpu.dma_semaphore, #tpu.memory_space<semaphore_mem>>) src(%arg21 : memref<2560xf32, #tpu.memory_space<vmem>>) dst(%dma_wait3A_251 : memref<2560xf32, #tpu.memory_space<hbm>>)
    %dma_wait3A_252 = arith.constant 0 : i32
    %dma_wait3A_253 = tpu.memref_slice %arg6[%add3A_2, %dma_wait3A_252] : memref<64x2560xf32, #tpu.memory_space<hbm>> -> memref<1x2560xf32, #tpu.memory_space<hbm>>
    %dma_wait3A_254 = tpu.memref_squeeze %dma_wait3A_253 : memref<1x2560xf32, #tpu.memory_space<hbm>> -> memref<2560xf32, #tpu.memory_space<hbm>>
    %dma_wait3A_255 = arith.constant 0 : i32
    %dma_wait3A_256 = tpu.memref_slice %arg6[%add3A_2, %dma_wait3A_255] : memref<64x2560xf32, #tpu.memory_space<hbm>> -> memref<1x2560xf32, #tpu.memory_space<hbm>>
    %dma_wait3A_257 = tpu.memref_squeeze %dma_wait3A_256 : memref<1x2560xf32, #tpu.memory_space<hbm>> -> memref<2560xf32, #tpu.memory_space<hbm>>
    tpu.wait_dma2 semaphore(%arg26 : memref<!tpu.dma_semaphore, #tpu.memory_space<semaphore_mem>>) src(%arg22 : memref<2560xf32, #tpu.memory_space<vmem>>) dst(%dma_wait3A_257 : memref<2560xf32, #tpu.memory_space<hbm>>)
    %dma_wait3A_258 = arith.constant 0 : i32
    %dma_wait3A_259 = tpu.memref_slice %arg7[%add3A_2, %dma_wait3A_258] : memref<64x2560xf32, #tpu.memory_space<hbm>> -> memref<1x2560xf32, #tpu.memory_space<hbm>>
    %dma_wait3A_260 = tpu.memref_squeeze %dma_wait3A_259 : memref<1x2560xf32, #tpu.memory_space<hbm>> -> memref<2560xf32, #tpu.memory_space<hbm>>
    %dma_wait3A_261 = arith.constant 0 : i32
    %dma_wait3A_262 = tpu.memref_slice %arg7[%add3A_2, %dma_wait3A_261] : memref<64x2560xf32, #tpu.memory_space<hbm>> -> memref<1x2560xf32, #tpu.memory_space<hbm>>
    %dma_wait3A_263 = tpu.memref_squeeze %dma_wait3A_262 : memref<1x2560xf32, #tpu.memory_space<hbm>> -> memref<2560xf32, #tpu.memory_space<hbm>>
    tpu.wait_dma2 semaphore(%arg26 : memref<!tpu.dma_semaphore, #tpu.memory_space<semaphore_mem>>) src(%arg23 : memref<2560xf32, #tpu.memory_space<vmem>>) dst(%dma_wait3A_263 : memref<2560xf32, #tpu.memory_space<hbm>>)
    %dma_wait3A_264 = arith.constant 0 : i32
    %dma_wait3A_265 = tpu.memref_slice %arg8[%add3A_2, %dma_wait3A_264] : memref<64x2560xf32, #tpu.memory_space<hbm>> -> memref<1x2560xf32, #tpu.memory_space<hbm>>
    %dma_wait3A_266 = tpu.memref_squeeze %dma_wait3A_265 : memref<1x2560xf32, #tpu.memory_space<hbm>> -> memref<2560xf32, #tpu.memory_space<hbm>>
    %dma_wait3A_267 = arith.constant 0 : i32
    %dma_wait3A_268 = tpu.memref_slice %arg8[%add3A_2, %dma_wait3A_267] : memref<64x2560xf32, #tpu.memory_space<hbm>> -> memref<1x2560xf32, #tpu.memory_space<hbm>>
    %dma_wait3A_269 = tpu.memref_squeeze %dma_wait3A_268 : memref<1x2560xf32, #tpu.memory_space<hbm>> -> memref<2560xf32, #tpu.memory_space<hbm>>
    tpu.wait_dma2 semaphore(%arg26 : memref<!tpu.dma_semaphore, #tpu.memory_space<semaphore_mem>>) src(%arg24 : memref<2560xf32, #tpu.memory_space<vmem>>) dst(%dma_wait3A_269 : memref<2560xf32, #tpu.memory_space<hbm>>)
    %dma_wait3A_270 = arith.constant 0 : i32
    %dma_wait3A_271 = tpu.memref_slice %arg9[%add3A_2, %dma_wait3A_270] : memref<64x2560xf32, #tpu.memory_space<hbm>> -> memref<1x2560xf32, #tpu.memory_space<hbm>>
    %dma_wait3A_272 = tpu.memref_squeeze %dma_wait3A_271 : memref<1x2560xf32, #tpu.memory_space<hbm>> -> memref<2560xf32, #tpu.memory_space<hbm>>
    %dma_wait3A_273 = arith.constant 0 : i32
    %dma_wait3A_274 = tpu.memref_slice %arg9[%add3A_2, %dma_wait3A_273] : memref<64x2560xf32, #tpu.memory_space<hbm>> -> memref<1x2560xf32, #tpu.memory_space<hbm>>
    %dma_wait3A_275 = tpu.memref_squeeze %dma_wait3A_274 : memref<1x2560xf32, #tpu.memory_space<hbm>> -> memref<2560xf32, #tpu.memory_space<hbm>>
    tpu.wait_dma2 semaphore(%arg26 : memref<!tpu.dma_semaphore, #tpu.memory_space<semaphore_mem>>) src(%arg25 : memref<2560xf32, #tpu.memory_space<vmem>>) dst(%dma_wait3A_275 : memref<2560xf32, #tpu.memory_space<hbm>>)
    return
  }
}

</mosaic_0001>

<sc_bundles>
// kernel: _sc_build.3.cloned.1.call-start
scs
__scs_entry_jumppad:
0x0: {  	(pc) =	sbr.rel $0x88, $3  }
0x1: {  	(tag) =	ssettag $0x0;
	lr =	simm.s32 $0x1  }
0x2: {  	[smem:$0x3FA0] =	sst lr;
	_ =	strace $0xD0000000  }
0x3: {  	_ = 	snop  }
0x4: {  	_ = 	snop  }
0x5: {  	_ = 	snop  }
0x6: {  	_ = 	snop  }
0x7: {  	_ = 	snop  }
__scs_overlays_trampoline_lowered:
0x8: {  	[smem:$0x3FAF] =	sst s0  }
0x9: {  	[smem:$0x3FB0] =	sst s1  }
0xa: {  	[smem:$0x3FB1] =	sst s2  }
0xb: {  	[smem:$0x3FB2] =	sst s3  }
0xc: {  	[smem:$0x3FB3] =	sst s4  }
0xd: {  	[smem:$0x3FB4] =	sst s5  }
0xe: {  	[smem:$0x3FB5] =	sst s6  }
0xf: {  	[smem:$0x3FB6] =	sst s7  }
0x10: {  	[smem:$0x3FB7] =	sst s8  }
0x11: {  	[smem:$0x3FB8] =	sst s9;
	s0 =	simm.s32 @!p0 $0x0  }
0x12: {  	s1 =	sld [smem:$0x3F9E];
	s0 =	simm.s32 @p0 $0x1  }
0x13: {  	[smem:$0x3FB9] =	sst s0;
	s0 =	simm.s32 @!p1 $0x0  }
0x14: {  	s2 =	sld [smem:$0x3F9D];
	s0 =	simm.s32 @p1 $0x1  }
0x15: {  	[smem:$0x3FBA] =	sst s0;
	s0 =	simm.s32 @!p2 $0x0  }
0x16: {  	s3 =	sld [smem:$0x3FDB];
	s0 =	simm.s32 @p2 $0x1  }
0x17: {  	s4 =	simm.s32 $0x1BF5;
	[smem:$0x3FBC] =	sst s0  }
0x18: {  	s0 =	sld [smem:$0x3F9F];
	_ =	swait.ge [sflag:s4], $0x0  }
0x19: {  	s7 =	sld [smem:$0x3FA0]  }
0x1a: {  	s8 =	sadd.s32 $0xFFFFE003, lr  }
0x1b: {  	s9 =	sadd.s32 $0xFFFFFEF7, lr;
	s5 =	simm.s32 $0xFFFFFFFF;
	p2 =	slt.u32 s8, $0xFFFFF086  }
0x1c: {  	p1 =	slt.u32 s9, $0xF7A;
	s5 =	simm.s32 @!p2 $0x0  }
0x1d: {  	s5 =	simm.s32 @p1 $0x1;
	p0 =	seq.s32 s7, s2  }
0x1e: {  	s7 =	smul.u32 @!p0 $0xF7A, s2;
	p2 =	seq.s32 @!p0 s5, $0x0  }
0x1f: {  	s9 =	smul.u32 $0xF7A, s1;
	s8 =	simm.s32 @!p0 $0x1BF5;
	p2 =	por !p2, p0  }
0x20: {  	[sflag:s8] =	ssyncset.s32 @!p0 $0xFFFFF086;
	s6 =	sadd.s32 @!p0 s3, s7;
	s7 =	simm.s32 @!p0 $0x108  }
0x21: {  	s3 =	sadd.s32 s3, s9;
	s6 =	sadd.s32 @!p0 $0x88, s6;
	s7 =	simm.s32 @p2 $0x1082  }
0x22: {  	[simem:s7], [sflag:s8] =	dma.local @!p0 [hbm:s6], $0xF7A  }
0x23: {  	s9 =	sor.u32 $0xD0000000, s2;
	s6 =	simm.s32 $0x108;
	_ =	swait.ge @!p0 [sflag:s8], $0x0  }
0x24: {  	s3 =	sadd.s32 $0x88, s3;
	s6 =	simm.s32 @!p1 $0x1082;
	[sflag:s4] =	ssyncset.s32 $0xFFFFF086  }
0x25: {  	[simem:s6], [sflag:s4] =	dma.local [hbm:s3], $0xF7A  }
0x26: {  	[smem:$0x3FA0] =	sst s1;
	(tag) =	ssettag s2;
	_ =	strace s9  }
0x27: {  	s1 =	sld [smem:$0x3FB0]  }
0x28: {  	s2 =	sld [smem:$0x3FB1]  }
0x29: {  	s4 =	sld [smem:$0x3FB3]  }
0x2a: {  	p0 =	seq.s32 s5, $0x0;
	s5 =	sld [smem:$0x3FB4]  }
0x2b: {  	s6 =	sld [smem:$0x3FB5]  }
0x2c: {  	s7 =	sld [smem:$0x3FB6]  }
0x2d: {  	s3 =	simm.s32 $0x108;
	s8 =	sld [smem:$0x3FB7]  }
0x2e: {  	s3 =	simm.s32 @!p0 $0x1082;
	s9 =	sld [smem:$0x3FB8]  }
0x2f: {  	lr =	sadd.s32 s0, s3;
	s0 =	sld [smem:$0x3FAF]  }
0x30: {  	s3 =	sld [smem:$0x3FB2]  }
0x31: {  	[smem:$0x3FBB] =	sst s10  }
0x32: {  	s10 =	sld [smem:$0x3FB9];
	_ =	sdelay $0x3  }
0x33: {  	p0 =	seq.s32 s10, $0x1;
	s10 =	sld [smem:$0x3FBB];
	_ =	sdelay $0x3  }
0x34: {  	[smem:$0x3FBB] =	sst s10  }
0x35: {  	s10 =	sld [smem:$0x3FBA];
	_ =	sdelay $0x3  }
0x36: {  	p1 =	seq.s32 s10, $0x1;
	s10 =	sld [smem:$0x3FBB];
	_ =	sdelay $0x3  }
0x37: {  	[smem:$0x3FBB] =	sst s10  }
0x38: {  	s10 =	sld [smem:$0x3FBC]  }
0x39: {  	_ = 	snop;
	(pc) =	sbr.ind lr, $3  }
0x3a: {  	_ = 	snop  }
0x3b: {  	_ = 	snop  }
0x3c: {  	p2 =	seq.s32 s10, $0x1;
	s10 =	sld [smem:$0x3FBB]  }
0x3d: {  	_ =	shalt  }
0x3e: {  	_ =	shalt  }
0x3f: {  	_ =	shalt  }
0x40: {  	_ =	shalt  }
0x41: {  	_ =	shalt  }
0x42: {  	_ =	shalt  }
0x43: {  	_ =	shalt  }
0x44: {  	_ =	shalt  }
0x45: {  	_ =	shalt  }
0x46: {  	_ =	shalt  }
0x47: {  	_ =	shalt  }
0x48: {  	_ =	shalt  }
0x49: {  	_ =	shalt  }
0x4a: {  	_ =	shalt  }
0x4b: {  	_ =	shalt  }
0x4c: {  	_ =	shalt  }
0x4d: {  	_ =	shalt  }
0x4e: {  	_ =	shalt  }
0x4f: {  	_ =	shalt  }
0x50: {  	_ =	shalt  }
0x51: {  	_ =	shalt  }
0x52: {  	_ =	shalt  }
0x53: {  	_ =	shalt  }
0x54: {  	_ =	shalt  }
0x55: {  	_ =	shalt  }
0x56: {  	_ =	shalt  }
0x57: {  	_ =	shalt  }
0x58: {  	_ =	shalt  }
0x59: {  	_ =	shalt  }
0x5a: {  	_ =	shalt  }
0x5b: {  	_ =	shalt  }
0x5c: {  	_ =	shalt  }
0x5d: {  	_ =	shalt  }
0x5e: {  	_ =	shalt  }
0x5f: {  	_ =	shalt  }
0x60: {  	_ =	shalt  }
0x61: {  	_ =	shalt  }
0x62: {  	_ =	shalt  }
0x63: {  	_ =	shalt  }
0x64: {  	_ =	shalt  }
0x65: {  	_ =	shalt  }
0x66: {  	_ =	shalt  }
0x67: {  	_ =	shalt  }
0x68: {  	_ =	shalt  }
0x69: {  	_ =	shalt  }
0x6a: {  	_ =	shalt  }
0x6b: {  	_ =	shalt  }
0x6c: {  	_ =	shalt  }
0x6d: {  	_ =	shalt  }
0x6e: {  	_ =	shalt  }
0x6f: {  	_ =	shalt  }
0x70: {  	_ =	shalt  }
0x71: {  	_ =	shalt  }
0x72: {  	_ =	shalt  }
0x73: {  	_ =	shalt  }
0x74: {  	_ =	shalt  }
0x75: {  	_ =	shalt  }
0x76: {  	_ =	shalt  }
0x77: {  	_ =	shalt  }
0x78: {  	_ =	shalt  }
0x79: {  	_ =	shalt  }
0x7a: {  	_ =	shalt  }
0x7b: {  	_ =	shalt  }
0x7c: {  	_ =	shalt  }
0x7d: {  	_ =	shalt  }
0x7e: {  	_ =	shalt  }
0x7f: {  	_ =	shalt  }
0x80: {  	_ =	shalt  }
0x81: {  	_ =	shalt  }
0x82: {  	_ =	shalt  }
0x83: {  	_ =	shalt  }
0x84: {  	_ =	shalt  }
0x85: {  	_ =	shalt  }
0x86: {  	_ =	shalt  }
0x87: {  	_ =	shalt  }
.Lfunc_end0:
.L_simem_size_0:
called_computation_lowered:
.L_overlay_start_0:
0x88: {  	s2 =	sld [smem:$0x3FD9]  }
0x89: {  	s3 =	sld [smem:$0x3FFE];
	_ =	sdelay $0x1  }
0x8a: {  	s1 =	srdreg.scid  }
0x8b: {  	s0 =	sand.u32 $0x1, s1  }
0x8c: {  	s15 =	sshll.u32 s0, $0xA;
	s2 =	sadd.s32 s3, s2  }
0x8d: {  	s2 =	sadd.s32 s2, s15  }
0x8e: {  	[smem:$0x3FC7] =	sst s2  }
0x8f: {  	_ = 	snop  }
0x90: {  	s2 =	sld [smem:$0x3FD0];
	_ =	sdelay $0x2  }
0x91: {  	s4 =	simm.s32 $0xA;
	s5 =	simm.s32 $0x10;
	s16 =	sld [smem:$0x3FC9]  }
0x92: {  	[smem:s5], [sflag:s4] =	dma.local [hbm:s2], $0x1  }
0x93: {  	_ =	swait.eq [sflag:s4], $0x1  }
0x94: {  	s17 =	sld [smem:$0x10]  }
0x95: {  	s18 =	sld [smem:$0x11]  }
0x96: {  	s6 =	sld [smem:$0x12]  }
0x97: {  	s7 =	sld [smem:$0x13]  }
0x98: {  	s8 =	sld [smem:$0x14];
	[sflag:s4] =	ssyncset.done $0x0  }
0x99: {  	s9 =	sld [smem:$0x15];
	[sflag:s4] =	ssyncadd.s32 $0xFFFFFFFF  }
0x9a: {  	s19 =	sld [smem:$0x16];
	(tm) =	ssettm $0x1  }
0x9b: {  	s10 =	sld [smem:$0x3FFB];
	_ =	sdelay $0x3  }
0x9c: {  	_ =	strace s10  }
0x9d: {  	s10 =	sld [smem:$0x3FFC];
	_ =	sdelay $0x3  }
0x9e: {  	_ =	strace s10  }
0x9f: {  	s10 =	sld [smem:$0x3FFD];
	_ =	sdelay $0x3  }
0xa0: {  	_ =	strace s10  }
0xa1: {  	_ =	strace $0x8FFFFFFF  }
0xa2: {  	s20 =	sld [smem:$0x3FDB];
	_ =	sdelay $0x1  }
0xa3: {  	s11 =	simm.s32 $_scs_section_size  }
0xa4: {  	s12 =	simm.s32 $_size__tile_overlayer_lowered;
	s13 =	simm.s32 $_tile_overlayer_lowered  }
0xa5: {  	s23 =	simm.s32 $0x1BFF;
	s22 =	sshll.u32 s13, $0x1;
	s10 =	sadd.s32 s11, s20  }
0xa6: {  	s14 =	simm.s32 $0x0;
	s21 =	sshll.u32 s12, $0x1;
	s12 =	sadd.s32 s22, s10  }
0xa7: {  	[timem:s14], [sflag:s23] =	dma.local [hbm:s12], s21  }
0xa8: {  	_ =	swait.ge [sflag:s23], s21  }
0xa9: {  	s11 =	ssub.s32 $0x0, s21;
	[sflag:s23] =	ssyncset.done $0x0  }
0xaa: {  	[sflag:s23] =	ssyncadd.s32 s11;
	_ =	sdelay $0x1  }
0xab: {  	s24 =	simm.s32 $0x1B8B  }
0xac: {  	_ =	swait.ge [sflag:s24], $0x1  }
0xad: {  	[sflag:s24] =	ssyncset.done $0x0  }
0xae: {  	s25 =	simm.s32 $0x1B8E;
	[sflag:s24] =	ssyncadd.s32 $0xFFFFFFFF  }
0xaf: {  	s26 =	simm.s32 $execute0_lowered;
	[smem:$0x3FD2] =	sst s25  }
0xb0: {  	s11 =	sshll.u32 s26, $0x1;
	_ =	strace $0x80000046;
	[dreg:$0x1] =	wrdreg $0xFFFFFFFF  }
0xb1: {  	s28 =	simm.s32 $_size_execute0_lowered;
	s10 =	sadd.s32 s10, s11;
	[dreg:$0x0] =	wrdreg $0x0  }
0xb2: {  	s11 =	sshll.u32 s28, $0x1;
	[dreg:$0x2] =	wrdreg s10  }
0xb3: {  	[dreg:$0x3] =	wrdreg s11  }
0xb4: {  	[dreg:$0x4] =	wrdreg $0xC0  }
0xb5: {  	_ =	task [dreg:s14], $0x5FFFF  }
0xb6: {  	[dreg:$0x1] =	wrdreg $0xFFFFFFFF  }
0xb7: {  	[dreg:$0x0] =	wrdreg $0x60  }
0xb8: {  	[dreg:$0x2] =	wrdreg s16  }
0xb9: {  	[dreg:$0x3] =	wrdreg s17  }
0xba: {  	[dreg:$0x4] =	wrdreg s18  }
0xbb: {  	[dreg:$0x5] =	wrdreg s6  }
0xbc: {  	[dreg:$0x6] =	wrdreg s7  }
0xbd: {  	[dreg:$0x7] =	wrdreg s8  }
0xbe: {  	[dreg:$0x8] =	wrdreg s9  }
0xbf: {  	[dreg:$0x9] =	wrdreg s19  }
0xc0: {  	[dreg:$0xa] =	wrdreg $0x9  }
0xc1: {  	_ =	task.clear_ibuf [dreg:s14], $0xBFFFF;
	_ =	strace $0x90000046  }
0xc2: {  	s29 =	simm.s32 $0x9;
	_ =	strace $0x80000048  }
0xc3: {  	_ =	swait.ge [sflag:s29], $0x1  }
0xc4: {  	[sflag:s29] =	ssyncadd.s32 $0xFFFFFFFF  }
0xc5: {  	_ =	strace $0x90000048  }
0xc6: {  	_ =	sfence  }
0xc7: {  	s30 =	sld [smem:$0x0];
	_ =	sdelay $0x2  }
0xc8: {  	s31 =	sshll.u32 s1, $0xD;
	s1 =	sshrl.u32 s1, $0x2  }
0xc9: {  	s3 =	sand.u32 $0x4000, s31;
	s1 =	sadd.s32 s1, s30  }
0xca: {  	s0 =	sor.u32 s3, s0;
	s1 =	sshll.u32 s1, $0x11  }
0xcb: {  	s0 =	sor.u32 s1, s0  }
0xcc: {  	s0 =	sadd.s32 $0x8F2B, s0  }
0xcd: {  	[sflag:s0] =	ssyncadd.remote.s32 $0x1  }
0xce: {  	_ =	sfence.sel $0xFFFF  }
0xcf: {  	[dreg:$0x0] =	wrdreg $0xFFFFFFFF;
	(pc) =	sbr.abs _section_cstart, $3  }
0xd0: {  	[dreg:$0x1] =	wrdreg $0xFFFFFFFF  }
0xd1: {  	_ =	task.clear_ibuf [dreg:s14], $0x2FFFF;
	_ =	strace $0x9FFFFFFF  }
0xd2: {  	(tm) =	ssettm $0x7FFFFFFF  }
0xd3: {  	_ =	shalt  }
tec
execute0_lowered:
.L_overlay_start_1:
0x0: {  	(tag) =	ssettag $0x1  }
0x1: {  	s1 =	rddreg [dreg:$0x0]  }
0x2: {  	s3 =	rddreg [dreg:$0x1]  }
0x3: {  	s4 =	rddreg [dreg:$0x2]  }
0x4: {  	s5 =	rddreg [dreg:$0x3]  }
0x5: {  	s6 =	rddreg [dreg:$0x4]  }
0x6: {  	s7 =	rddreg [dreg:$0x5]  }
0x7: {  	s8 =	rddreg [dreg:$0x6]  }
0x8: {  	s0 =	rddreg [dreg:$0x7];
	s9 =	srdreg.scid;
	s2 =	simm.s32 $0x0  }
0x9: {  	s13 =	stileid.u32;
	s28 =	simm.s32 $0x2000;
	s29 =	simm.s32 $0x2A00  }
0xa: {  	s9 =	sand.u32 $0x1, s9;
	[smem:$0x7FF] =	sst s2;
	s12 =	sshll.u32 s13, $0x8  }
0xb: {  	s13 =	sshrl.u32 s13, $0x2;
	s10 =	ssub.s32 $0x2, s9;
	_ =	strace $0x80000047  }
0xc: {  	s9 =	sshll.u32 s9, $0x7;
	s12 =	sand.u32 $0x300, s12;
	s26 =	sshll.u32 s13, $0xB  }
0xd: {  	s14 =	sor.u32 $0x4, s13;
	s13 =	smul.u32 $0x5000, s13;
	s9 =	sor.u32 s9, s12  }
0xe: {  	s11 =	sshrl.u32 s10, $0x1;
	s15 =	sshll.u32 s14, $0xB;
	s12 =	sor.u32 s26, s9  }
0xf: {  	vm0 =	vcmask $0x300;
	v0 =	vimm.f32 $1.000000000e+00;
	s10 =	ssub.s32 s10, s11;
	s16 =	sor.u32 s9, s15;
	s12 =	sshrl.u32 s12, $0x3  }
0x10: {  	vm3 =	vcmask $0x704;
	v1 =	vsel vm0, $0x3FA93A93, v0;
	s18 =	sor.u32 s13, s9;
	s17 =	sshrl.u32 s16, $0x3;
	s11 =	sadd.s32 s1, s12  }
0x11: {  	vm4 =	vcmask $0xB08;
	v2 =	vsel vm0, $0x3FDDA027, v0;
	v1 =	vsel vm3, $0x404C5604, v1;
	s19 =	sshrl.u32 s18, $0x3;
	s1 =	sadd.s32 s1, s17;
	[dreg:$0x9] =	wrdreg s11  }
0x12: {  	vm2 =	vcmask $0xF0C;
	s30 =	simm.s32 $0x3400;
	v2 =	vsel vm3, $0x40804D55, v2;
	v1 =	vsel vm4, $0x40A1C9B0, v1;
	s12 =	sadd.s32 s3, s19;
	[dreg:$0xa] =	wrdreg s1  }
0x13: {  	vm1 =	vcmask $0x1310;
	v2 =	vsel vm4, $0x4101952D, v2;
	s20 =	smul.u32 $0x5000, s14;
	v1 =	vsel vm2, $0x411789B5, v1;
	s21 =	sadd.s32 s4, s19;
	[dreg:$0xb] =	wrdreg s12  }
0x14: {  	s31 =	simm.s32 $0x3E00;
	v2 =	vsel vm2, $0x409AE59F, v2;
	v1 =	vsel vm1, $0x4133C84B, v1;
	s22 =	sadd.s32 s5, s19;
	[dreg:$0xc] =	wrdreg s21  }
0x15: {  	v2 =	vsel vm1, $0x41201D15, v2;
	s9 =	sor.u32 s9, s20;
	(erf) = vrcp.f32 v1;
	s23 =	sadd.s32 s6, s19;
	[dreg:$0xd] =	wrdreg s22  }
0x16: {  	s20 =	simm.s32 $0x80;
	s24 =	sadd.s32 s7, s19;
	[dreg:$0xe] =	wrdreg s23;
	(erf) = vrcp.f32 v2  }
0x17: {  	s25 =	sadd.s32 s8, s19;
	s26 =	sshrl.u32 s9, $0x3;
	[dreg:$0xf] =	wrdreg s24  }
0x18: {  	v3 =	vimm.f32 $0.0e+00;
	[dreg:$0x10] =	wrdreg s25;
	s11 =	sadd.s32 s0, s19;
	s12 =	sadd.s32 s3, s26  }
0x19: {  	v5 =	vimm.s32 $0x3020104;
	v8 =	vimm.s32 $0x2;
	v10 =	vimm.s32 $0x3;
	s13 =	sadd.s32 s4, s26;
	s14 =	sadd.s32 s5, s26;
	s15 =	sadd.s32 s6, s26  }
0x1a: {  	v4 =	vsel vm0, $0x4012816F, v0;
	v7 =	vunpack.c.0.s8.s32 v5;
	v5 =	vimm.s32 $0x0;
	s16 =	sadd.s32 s7, s26;
	s17 =	sadd.s32 s8, s26;
	s18 =	sadd.s32 s0, s26  }
0x1b: {  	v14 =	vimm.s32 $0xF;
	v6 =	vsel vm3, $0x414CD177, v4;
	v9 =	vsel vm3, $0x200, v5;
	s19 =	smax.u32 s10, $0x1;
	s21 =	simm.s32 $0x400;
	s22 =	simm.s32 $0x100  }
0x1c: {  	vm0 =	vcmask $0x1304;
	v6 =	vsel vm4, $0x4223C9D1, v6;
	v12 =	vsel vm4, $0x400, v9;
	s23 =	simm.s32 $0x1;
	s24 =	simm.s32 $0xC00;
	s25 =	simm.s32 $0x200  }
0x1d: {  	v11 =	vimm.s32 $0x4;
	v4 =	vimm.f32 $1.270000000e+02;
	v13 =	vsel vm2, $0x42376186, v6;
	s26 =	simm.s32 $0x1600;
	s0 =	simm.s32 $0x5200;
	s1 =	simm.s32 $0x4800  }
0x1e: {  	v6 =	vnsel vm0, $0x0, v7;
	vm0 =	vmmov $0x1f;
	v15 =	vsel vm2, $0x600, v12;
	s3 =	simm.s32 $0x5C00;
	s4 =	simm.s32 $0x6600;
	s5 =	simm.s32 $0x7000;
	v9 =	vpop (erf)  }
0x1f: {  	v7 =	vimm.s32 $0x1;
	v13 =	vsel vm1, $0x42E0E337, v13;
	v15 =	vsel vm1, $0x800, v15;
	s6 =	simm.s32 $0x7A00;
	s7 =	simm.s32 $0x8400;
	s8 =	simm.s32 $0x0;
	v12 =	vpop (erf)  }
.LBB2_1:
0x20: {  	s9 =	rddreg [dreg:$0x9]  }
0x21: {  	[tilespmem:s2], [sflag:$0x1] =	stream.strided.gather [hbm4b:s9+s20], $0x100, s21, s20, $0x38;
	[tilespmem:$0x8E00] =	vst v63  }
0x22: {  	s10 =	rddreg [dreg:$0xa];
	s9 =	simm.s32 $0x0  }
0x23: {  	[tilespmem:s22], [sflag:$0x1] =	stream.strided.gather [hbm4b:s10+s20], $0x100, s21, s20, $0x38;
	[tilespmem:$0x8E00] =	vst v63  }
0x24: {  	[tilespmem:s9+$0x8400] =	vst v4  }
0x25: {  	[tilespmem:s9+$0x200] =	vst v3  }
0x26: {  	[tilespmem:s9+$0xC00] =	vst v0  }
0x27: {  	[tilespmem:s9+$0x3E00] =	vst v4  }
0x28: {  	s10 =	simm.s32 $0x40;
	[tilespmem:s9+$0x4800] =	vst v3  }
.LBB2_2:
0x29: {  	p0 =	sne.s32 s10, $0x27C0;
	[tilespmem:s9+$0x5200] =	vst v0;
	s9 =	sshra.s32 s10, $0x2;
	s10 =	sadd.s32 $0x40, s10  }
.Ltmp0:
0x2a: {  	[tilespmem:s9+$0x8400] =	vst v4;
	(pc) =	sbr.rel @p0 .LBB2_2-.Ltmp0, $4  }
0x2b: {  	[tilespmem:s9+$0x200] =	vst v3  }
0x2c: {  	[tilespmem:s9+$0xC00] =	vst v0  }
0x2d: {  	[tilespmem:s9+$0x3E00] =	vst v4  }
0x2e: {  	[tilespmem:s9+$0x4800] =	vst v3  }
0x2f: {  	[tilespmem:s9+$0x5200] =	vst v0  }
0x30: {  	_ =	swait.ge [sflag:s23], $0x100  }
0x31: {  	[sflag:s23] =	ssyncset.done $0x0  }
0x32: {  	[sflag:s23] =	ssyncadd.s32 $0xFFFFFF00  }
0x33: {  	_ =	swait.ge [sflag:s23], $0x100  }
0x34: {  	[sflag:s23] =	ssyncset.done $0x0  }
0x35: {  	s9 =	simm.s32 $0x0;
	[sflag:s23] =	ssyncadd.s32 $0xFFFFFF00  }
.LBB2_4:
0x36: {  	v16 =	vadd.s32 s9, v6;
	_ =	sdelay $0x4  }
0x37: {  	v17 =	vld.idx.msk [tilespmem:v16+s2+$0x0], $0x1f;
	_ =	sdelay $0x4  }
0x38: {  	v17 =	vnsel vm0, $0x0, v17  }
0x39: {  	v18 =	vperm.xlane v17, v10;
	v19 =	vperm.xlane v17, v11;
	_ =	sdelay $0x1  }
0x3a: {  	v20 =	vmul.f32 $3.200000000e+01, v18;
	v21 =	vmul.f32 $1.600000000e+01, v19;
	_ =	sdelay $0x1  }
0x3b: {  	v22 =	vmul.f32 v21, v20  }
0x3c: {  	v23 =	vmin.f32 v20, v1;
	v24 =	vmin.f32 v21, v2  }
0x3d: {  	v23 =	vmul.f32 v24, v23;
	v22 =	vadd.f32 v13, v22;
	_ =	sdelay $0x1  }
0x3e: {  	v22 =	vsub.f32 v22, v23;
	_ =	sdelay $0x1  }
0x3f: {  	v22 =	vadd.f32 $1.000000020e-16, v22;
	_ =	sdelay $0x1  }
0x40: {  	(erf) = vrcp.f32 v22;
	_ =	sdelay $0x8  }
0x41: {  	v22 =	vpop (erf)  }
0x42: {  	v22 =	vmul.f32 v22, v23;
	_ =	sdelay $0x1  }
0x43: {  	v22 =	vnsel vm0, $0xBF800000, v22  }
0x44: {  	(xrf0) =	vmax.scan.msk.f32 $0xffff, v22;
	_ =	sdelay $0x4  }
0x45: {  	v63 =	vperm.xlane v17, v5;
	v30 =	vperm.xlane v17, v7  }
0x46: {  	v25, _, _ =	vpop (xrf0)  }
0x47: {  	v17 =	vperm.xlane v17, v8;
	v26 =	vadd.f32 v30, v63;
	v25 =	vperm.xlane v25, v14;
	_ =	sdelay $0x1  }
0x48: {  	v26 =	vadd.f32 v17, v26;
	vm1 =	veq.f32 v22, v25  }
0x49: {  	v25 =	vsel vm1, $0x1, v5  }
0x4a: {  	v18 =	vadd.f32 v18, v26;
	(xrf0) =	vadd.scan.msk.s32 $0xffff, v25;
	_ =	sdelay $0x1  }
0x4b: {  	v31 =	vmul.f32 $3.200000000e+01, v30;
	v18 =	vadd.f32 v19, v18  }
0x4c: {  	v17 =	vmul.f32 $1.600000000e+01, v17  }
0x4d: {  	v32 =	vtrunc.f32 v31;
	vm2 =	vlt.f32 v18, $0.0e+00;
	vm3 =	vgt.f32 v18, $0.0e+00  }
0x4e: {  	v33 =	vtrunc.f32 v17;
	vm2 =	vmor vm3, vm2;
	vm3 =	vlt.f32 v31, v32  }
0x4f: {  	v35 =	vcvt.f32.s32 v33;
	v34 =	vsel vm3, $0xFFFFFFFF, v5;
	vm3 =	vlt.f32 v17, v33;
	v36, _, _ =	vpop (xrf0)  }
0x50: {  	v18 =	vcvt.f32.s32 v32;
	v27 =	vsel vm3, $0xFFFFFFFF, v5;
	vm3 =	veq.s32 v36, $0x1  }
0x51: {  	v37 =	vadd.s32 v35, v27;
	vm1 =	vmand vm1, vm3;
	vm3 =	vgt.f32 v22, $6.000000240e-01  }
0x52: {  	v18 =	vadd.s32 v18, v34;
	v38 =	vshll.u32 v37, $0x5;
	vm3 =	vmor vm3, vm1  }
0x53: {  	v22 =	vadd.s32 v38, v18;
	vm3 =	vmand vm2, vm3  }
0x54: {  	v22 =	vadd.s32 v15, v22;
	vm2 =	vmand vm2, vm1;
	_ =	sdelay $0x2  }
0x55: {  	v18 =	vcvt.s32.f32 v18  }
0x56: {  	v24 =	vcvt.s32.f32 v37;
	v39 =	vsel vm1, $0x3F800000, v3  }
0x57: {  	v18 =	vsub.f32 v31, v18;
	[tilespmem:v22+s24+$0x0] =	vst.idx.msk vm3, v39  }
0x58: {  	v17 =	vsub.f32 v17, v24;
	[tilespmem:v22+s25+$0x0] =	vst.idx.msk vm2, v0  }
0x59: {  	v40 =	vmul.f32 v20, v9;
	[tilespmem:v22+s26+$0x0] =	vst.idx.msk vm2, v18  }
0x5a: {  	[tilespmem:v22+s28+$0x0] =	vst.idx.msk vm2, v17;
	v17 =	vmul.f32 v21, v12  }
0x5b: {  	[tilespmem:v22+s29+$0x0] =	vst.idx.msk vm2, v40  }
0x5c: {  	v41 =	vtrunc.f32 v63;
	[tilespmem:v22+s30+$0x0] =	vst.idx.msk vm2, v17  }
0x5d: {  	vm1 =	vlt.f32 v63, v41;
	v17 =	vcvt.f32.s32 v41;
	v42 =	vld.idx.msk [tilespmem:v22+s31+$0x0], vm2  }
0x5e: {  	v43 =	vsel vm1, $0xFFFFFFFF, v5  }
0x5f: {  	v17 =	vadd.s32 v17, v43  }
0x60: {  	v17 =	vcvt.s32.f32 v17;
	_ =	sdelay $0x1  }
0x61: {  	v17 =	vmin.f32 v42, v17  }
0x62: {  	[tilespmem:v22+s31+$0x0] =	vst.idx.msk vm2, v17  }
0x63: {  	v16 =	vld.idx.msk [tilespmem:v16+s22+$0x0], $0x1f;
	_ =	sdelay $0x4  }
0x64: {  	v16 =	vnsel vm0, $0x0, v16  }
0x65: {  	v17 =	vperm.xlane v16, v10;
	v44 =	vperm.xlane v16, v11;
	_ =	sdelay $0x1  }
0x66: {  	v45 =	vmul.f32 $3.200000000e+01, v17;
	v46 =	vmul.f32 $1.600000000e+01, v44;
	_ =	sdelay $0x1  }
0x67: {  	v47 =	vmul.f32 v46, v45  }
0x68: {  	v48 =	vmin.f32 v45, v1;
	v49 =	vmin.f32 v46, v2  }
0x69: {  	v22 =	vmul.f32 v49, v48;
	v21 =	vadd.f32 v13, v47;
	_ =	sdelay $0x1  }
0x6a: {  	v21 =	vsub.f32 v21, v22;
	_ =	sdelay $0x1  }
0x6b: {  	v21 =	vadd.f32 $1.000000020e-16, v21;
	_ =	sdelay $0x1  }
0x6c: {  	(erf) = vrcp.f32 v21;
	_ =	sdelay $0x8  }
0x6d: {  	v21 =	vpop (erf)  }
0x6e: {  	v21 =	vmul.f32 v21, v22;
	_ =	sdelay $0x1  }
0x6f: {  	v21 =	vnsel vm0, $0xBF800000, v21  }
0x70: {  	(xrf0) =	vmax.scan.msk.f32 $0xffff, v21;
	_ =	sdelay $0x4  }
0x71: {  	v50 =	vperm.xlane v16, v5;
	v51 =	vperm.xlane v16, v7  }
0x72: {  	v52, _, _ =	vpop (xrf0)  }
0x73: {  	v16 =	vperm.xlane v16, v8;
	v53 =	vadd.f32 v51, v50;
	v24 =	vperm.xlane v52, v14;
	_ =	sdelay $0x1  }
0x74: {  	v25 =	vadd.f32 v16, v53;
	vm1 =	veq.f32 v21, v24  }
0x75: {  	v24 =	vsel vm1, $0x1, v5  }
0x76: {  	v17 =	vadd.f32 v17, v25;
	(xrf0) =	vadd.scan.msk.s32 $0xffff, v24;
	_ =	sdelay $0x1  }
0x77: {  	v54 =	vmul.f32 $3.200000000e+01, v51;
	v17 =	vadd.f32 v44, v17  }
0x78: {  	v16 =	vmul.f32 $1.600000000e+01, v16  }
0x79: {  	vm2 =	vlt.f32 v17, $0.0e+00;
	vm3 =	vgt.f32 v17, $0.0e+00;
	v17 =	vtrunc.f32 v54  }
0x7a: {  	v55 =	vtrunc.f32 v16;
	vm2 =	vmor vm3, vm2;
	vm3 =	vlt.f32 v54, v17  }
0x7b: {  	v57 =	vcvt.f32.s32 v55;
	v56 =	vsel vm3, $0xFFFFFFFF, v5;
	vm3 =	vlt.f32 v16, v55;
	v58, _, _ =	vpop (xrf0)  }
0x7c: {  	v17 =	vcvt.f32.s32 v17;
	v59 =	vsel vm3, $0xFFFFFFFF, v5;
	vm3 =	veq.s32 v58, $0x1  }
0x7d: {  	v60 =	vadd.s32 v57, v59;
	vm1 =	vmand vm1, vm3;
	vm3 =	vgt.f32 v21, $6.000000240e-01  }
0x7e: {  	v17 =	vadd.s32 v17, v56;
	v61 =	vshll.u32 v60, $0x5;
	vm3 =	vmor vm3, vm1  }
0x7f: {  	v21 =	vadd.s32 v61, v17;
	vm3 =	vmand vm2, vm3  }
0x80: {  	v21 =	vadd.s32 v15, v21;
	vm2 =	vmand vm2, vm1;
	_ =	sdelay $0x2  }
0x81: {  	v17 =	vcvt.s32.f32 v17  }
0x82: {  	v23 =	vcvt.s32.f32 v60;
	v62 =	vsel vm1, $0x3F800000, v3  }
0x83: {  	v17 =	vsub.f32 v54, v17;
	[tilespmem:v21+s0+$0x0] =	vst.idx.msk vm3, v62  }
0x84: {  	v16 =	vsub.f32 v16, v23;
	[tilespmem:v21+s1+$0x0] =	vst.idx.msk vm2, v0  }
0x85: {  	[tilespmem:v21+s3+$0x0] =	vst.idx.msk vm2, v17;
	v17 =	vmul.f32 v45, v9  }
0x86: {  	[tilespmem:v21+s4+$0x0] =	vst.idx.msk vm2, v16;
	v16 =	vmul.f32 v46, v12  }
0x87: {  	[tilespmem:v21+s5+$0x0] =	vst.idx.msk vm2, v17  }
0x88: {  	v17 =	vtrunc.f32 v50;
	[tilespmem:v21+s6+$0x0] =	vst.idx.msk vm2, v16  }
0x89: {  	v16 =	vcvt.f32.s32 v17;
	vm1 =	vlt.f32 v50, v17;
	v17 =	vld.idx.msk [tilespmem:v21+s7+$0x0], vm2  }
0x8a: {  	p0 =	sne.s32 s9, $0xF5;
	v63 =	vsel vm1, $0xFFFFFFFF, v5  }
.Ltmp1:
0x8b: {  	v16 =	vadd.s32 v16, v63;
	(pc) =	sbr.rel @p0 .LBB2_4-.Ltmp1, $3  }
0x8c: {  	v16 =	vcvt.s32.f32 v16;
	_ =	sdelay $0x1  }
0x8d: {  	v16 =	vmin.f32 v17, v16  }
0x8e: {  	s9 =	sadd.s32 $0x5, s9;
	[tilespmem:v21+s7+$0x0] =	vst.idx.msk vm2, v16  }
0x8f: {  	s9 =	rddreg [dreg:$0xb]  }
0x90: {  	[hbm4b:s9+s20] =	stream.strided.scatter [tilespmem:s25], [sflag:$0x1], $0xA00, s21, s20, $0x38;
	[tilespmem:$0x8E00] =	vst v63  }
0x91: {  	s10 =	rddreg [dreg:$0xc]  }
0x92: {  	[hbm4b:s10+s20] =	stream.strided.scatter [tilespmem:s24], [sflag:$0x1], $0xA00, s21, s20, $0x38;
	[tilespmem:$0x8E00] =	vst v63  }
0x93: {  	s10 =	rddreg [dreg:$0xd]  }
0x94: {  	[hbm4b:s10+s20] =	stream.strided.scatter [tilespmem:s26], [sflag:$0x1], $0xA00, s21, s20, $0x38;
	[tilespmem:$0x8E00] =	vst v63  }
0x95: {  	s10 =	rddreg [dreg:$0xe]  }
0x96: {  	[hbm4b:s10+s20] =	stream.strided.scatter [tilespmem:s28], [sflag:$0x1], $0xA00, s21, s20, $0x38;
	[tilespmem:$0x8E00] =	vst v63  }
0x97: {  	s10 =	rddreg [dreg:$0xf]  }
0x98: {  	[hbm4b:s10+s20] =	stream.strided.scatter [tilespmem:s29], [sflag:$0x1], $0xA00, s21, s20, $0x38;
	[tilespmem:$0x8E00] =	vst v63  }
0x99: {  	s10 =	rddreg [dreg:$0x10]  }
0x9a: {  	[hbm4b:s10+s20] =	stream.strided.scatter [tilespmem:s30], [sflag:$0x1], $0xA00, s21, s20, $0x38;
	[tilespmem:$0x8E00] =	vst v63  }
0x9b: {  	_ = 	snop  }
0x9c: {  	[hbm4b:s11+s20] =	stream.strided.scatter [tilespmem:s31], [sflag:$0x1], $0xA00, s21, s20, $0x38;
	[tilespmem:$0x8E00] =	vst v63  }
0x9d: {  	_ = 	snop  }
0x9e: {  	[hbm4b:s12+s20] =	stream.strided.scatter [tilespmem:s1], [sflag:$0x1], $0xA00, s21, s20, $0x38;
	[tilespmem:$0x8E00] =	vst v63  }
0x9f: {  	_ = 	snop  }
0xa0: {  	[hbm4b:s13+s20] =	stream.strided.scatter [tilespmem:s0], [sflag:$0x1], $0xA00, s21, s20, $0x38;
	[tilespmem:$0x8E00] =	vst v63  }
0xa1: {  	_ = 	snop  }
0xa2: {  	[hbm4b:s14+s20] =	stream.strided.scatter [tilespmem:s3], [sflag:$0x1], $0xA00, s21, s20, $0x38;
	[tilespmem:$0x8E00] =	vst v63  }
0xa3: {  	_ = 	snop  }
0xa4: {  	[hbm4b:s15+s20] =	stream.strided.scatter [tilespmem:s4], [sflag:$0x1], $0xA00, s21, s20, $0x38;
	[tilespmem:$0x8E00] =	vst v63  }
0xa5: {  	_ = 	snop  }
0xa6: {  	[hbm4b:s16+s20] =	stream.strided.scatter [tilespmem:s5], [sflag:$0x1], $0xA00, s21, s20, $0x38;
	[tilespmem:$0x8E00] =	vst v63  }
0xa7: {  	_ = 	snop  }
0xa8: {  	[hbm4b:s17+s20] =	stream.strided.scatter [tilespmem:s6], [sflag:$0x1], $0xA00, s21, s20, $0x38;
	[tilespmem:$0x8E00] =	vst v63  }
0xa9: {  	_ = 	snop  }
0xaa: {  	[hbm4b:s18+s20] =	stream.strided.scatter [tilespmem:s7], [sflag:$0x1], $0xA00, s21, s20, $0x38;
	[tilespmem:$0x8E00] =	vst v63  }
0xab: {  	_ =	swait.ge [sflag:s23], $0xA00  }
0xac: {  	[sflag:s23] =	ssyncset.done $0x0  }
0xad: {  	[sflag:s23] =	ssyncadd.s32 $0xFFFFF600  }
0xae: {  	_ =	swait.ge [sflag:s23], $0xA00  }
0xaf: {  	[sflag:s23] =	ssyncset.done $0x0  }
0xb0: {  	[sflag:s23] =	ssyncadd.s32 $0xFFFFF600  }
0xb1: {  	_ =	swait.ge [sflag:s23], $0xA00  }
0xb2: {  	[sflag:s23] =	ssyncset.done $0x0  }
0xb3: {  	[sflag:s23] =	ssyncadd.s32 $0xFFFFF600  }
0xb4: {  	_ =	swait.ge [sflag:s23], $0xA00  }
0xb5: {  	[sflag:s23] =	ssyncset.done $0x0  }
0xb6: {  	[sflag:s23] =	ssyncadd.s32 $0xFFFFF600  }
0xb7: {  	_ =	swait.ge [sflag:s23], $0xA00  }
0xb8: {  	[sflag:s23] =	ssyncset.done $0x0  }
0xb9: {  	[sflag:s23] =	ssyncadd.s32 $0xFFFFF600  }
0xba: {  	_ =	swait.ge [sflag:s23], $0xA00  }
0xbb: {  	[sflag:s23] =	ssyncset.done $0x0  }
0xbc: {  	[sflag:s23] =	ssyncadd.s32 $0xFFFFF600  }
0xbd: {  	_ =	swait.ge [sflag:s23], $0xA00  }
0xbe: {  	[sflag:s23] =	ssyncset.done $0x0  }
0xbf: {  	[sflag:s23] =	ssyncadd.s32 $0xFFFFF600  }
0xc0: {  	_ =	swait.ge [sflag:s23], $0xA00  }
0xc1: {  	[sflag:s23] =	ssyncset.done $0x0  }
0xc2: {  	[sflag:s23] =	ssyncadd.s32 $0xFFFFF600  }
0xc3: {  	_ =	swait.ge [sflag:s23], $0xA00  }
0xc4: {  	[sflag:s23] =	ssyncset.done $0x0  }
0xc5: {  	[sflag:s23] =	ssyncadd.s32 $0xFFFFF600  }
0xc6: {  	_ =	swait.ge [sflag:s23], $0xA00  }
0xc7: {  	[sflag:s23] =	ssyncset.done $0x0  }
0xc8: {  	[sflag:s23] =	ssyncadd.s32 $0xFFFFF600  }
0xc9: {  	_ =	swait.ge [sflag:s23], $0xA00  }
0xca: {  	[sflag:s23] =	ssyncset.done $0x0  }
0xcb: {  	[sflag:s23] =	ssyncadd.s32 $0xFFFFF600  }
0xcc: {  	_ =	swait.ge [sflag:s23], $0xA00  }
0xcd: {  	[sflag:s23] =	ssyncset.done $0x0  }
0xce: {  	s8 =	sadd.s32 $0x1, s8;
	[sflag:s23] =	ssyncadd.s32 $0xFFFFF600  }
0xcf: {  	p0 =	sne.s32 s8, s19;
	_ =	swait.ge [sflag:s23], $0xA00  }
.Ltmp2:
0xd0: {  	[sflag:s23] =	ssyncset.done $0x0;
	(pc) =	sbr.rel @p0 .LBB2_1-.Ltmp2, $4  }
0xd1: {  	[sflag:s23] =	ssyncadd.s32 $0xFFFFF600  }
0xd2: {  	_ =	swait.ge [sflag:s23], $0xA00  }
0xd3: {  	[sflag:s23] =	ssyncset.done $0x0  }
0xd4: {  	[sflag:s23] =	ssyncadd.s32 $0xFFFFF600  }
0xd5: {  	_ =	sfence.sel $0x180000  }
0xd6: {  	[bflag:$0x0] =	sbarrier.arrive $0xFFFF  }
0xd7: {  	_ =	strace $0x90000047  }
0xd8: {  	s0 =	stileid.u32;
	[bflag:$0x2] =	sbarrier.arrive $0xFFFF  }
0xd9: {  	p0 =	sne.s32 s0, $0x0;
	s0 =	rddreg [dreg:$0x8]  }
0xda: {  	s0 =	sadd.s32 @!p0 $0x100000, s0  }
0xdb: {  	[sflag:s0] =	ssyncadd.tile.s32 @!p0 $0x1;
	_ =	shalt  }
.Lfunc_end2:
_tile_overlayer_lowered:
.L_overlay_start_2:
0xdc: {  	(tag) =	ssettag $0x2  }
0xdd: {  	s0 =	rddreg [dreg:$0x0];
	s2 =	stileid.u32  }
0xde: {  	s1 =	rddreg [dreg:$0x1];
	p0 =	sne.s32 s2, $0x0  }
0xdf: {  	s3 =	rddreg [dreg:$0x2];
	[bflag:$0x3] =	sbarrier.arrive $0xFFFF;
	s2 =	simm.s32 @!p0 $0x1C02  }
0xe0: {  	[timem:s3], [sflag:s2] =	dma.local @!p0 [hbm:s0], s1  }
0xe1: {  	s0 =	simm.s32 @!p0 $0x2  }
0xe2: {  	_ =	swait.ge @!p0 [sflag:s0], s1  }
0xe3: {  	s1 =	ssub.s32 @!p0 $0x0, s1;
	[sflag:s0] =	ssyncset.done @!p0 $0x0  }
0xe4: {  	[sflag:s0] =	ssyncadd.s32 @!p0 s1  }
0xe5: {  	[bflag:$0x3] =	sbarrier.arrive $0xFFFF  }
0xe6: {  	_ =	shalt  }

</sc_bundles>
